<compile_context>
chip_gen: v7x
topology: tpu7x:2x2x1
jax: 0.10.2.dev20260603
libtpu: 0.0.44.dev20260713+nightly
codegen_flags: <defaults>
</compile_context>

<pallas_src>
import functools

import jax
import jax.numpy as jnp
from jax import lax
from jax.experimental import pallas as pl
from jax.experimental.pallas import tpu as pltpu
from jax.experimental.pallas import tpu_sc as plsc

_B = 16384
_NCAT = 26
_VOCAB = 100
_EDIM = 50
_EPAD = 64
_NNUM = 13
_EPS = 1e-5
_CH = 128


def _make_sc_gather():
    info = plsc.get_sparse_core_info()
    nc, ns = info.num_cores, info.num_subcores
    nw = nc * ns
    rows = _B * _NCAT
    per_w = rows // nw
    nch = per_w // _CH

    mesh = plsc.VectorSubcoreMesh(core_axis_name="c", subcore_axis_name="s")

    fire_n = 4
    sch = fire_n * _CH
    nsuper = per_w // sch

    @functools.partial(
        pl.kernel,
        mesh=mesh,
        compiler_params=pltpu.CompilerParams(use_tc_tiling_on_sc=False),
        out_type=jax.ShapeDtypeStruct((rows, _EPAD), jnp.float32),
        scratch_types=[
            pltpu.VMEM((nch, _CH), jnp.int32),
            pltpu.VMEM((sch, _EPAD), jnp.float32),
            pltpu.VMEM((sch, _EPAD), jnp.float32),
            pltpu.SemaphoreType.DMA,
            pltpu.SemaphoreType.DMA,
        ],
    )
    def gather_k(tab_hbm, idx_hbm, out_hbm, idx_v, buf_a, buf_b, sem_a, sem_b):
        wid = lax.axis_index("s") * nc + lax.axis_index("c")
        row0 = wid * per_w
        pltpu.sync_copy(idx_hbm.at[wid], idx_v)

        def fire(s, buf, sem):
            for j in range(fire_n):
                pltpu.async_copy(tab_hbm.at[idx_v.at[s * fire_n + j]],
                                 buf.at[pl.ds(j * _CH, _CH)], sem)

        def drain(buf, sem):
            pltpu.make_async_copy(tab_hbm.at[pl.ds(0, sch)], buf, sem).wait()

        def writeback(s, buf):
            pltpu.sync_copy(buf, out_hbm.at[pl.ds(row0 + s * sch, sch)])

        fire(0, buf_a, sem_a)

        def body(i, carry):
            s0 = 2 * i
            s1 = s0 + 1
            fire(s1, buf_b, sem_b)
            drain(buf_a, sem_a)
            writeback(s0, buf_a)

            @pl.when(i < nsuper // 2 - 1)
            def _():
                fire(s1 + 1, buf_a, sem_a)

            drain(buf_b, sem_b)
            writeback(s1, buf_b)
            return carry

        lax.fori_loop(0, nsuper // 2, body, 0)

    return gather_k, nw, nch


def _dot16(a, w):
    return jnp.dot(a.astype(jnp.bfloat16), w.astype(jnp.bfloat16),
                   preferred_element_type=jnp.float32)


def _stats_update(i, z, so_ref):
    p = jnp.concatenate(
        [jnp.sum(z, 0, keepdims=True), jnp.sum(z * z, 0, keepdims=True)], 0)

    @pl.when(i == 0)
    def _():
        so_ref[...] = p

    @pl.when(i > 0)
    def _():
        so_ref[...] += p


def _bn_relu(z, s_ref, g_ref, bt_ref, n_rows):
    s = s_ref[...]
    z = z.astype(jnp.float32)
    m = s[0] * (1.0 / n_rows)
    var = s[1] * (1.0 / n_rows) - m * m
    alpha = g_ref[...] * lax.rsqrt(var + _EPS)
    beta = bt_ref[...] - m * alpha
    return jnp.maximum(z * alpha + beta, 0.0)


def _pass_first(emb, xn, we, wn, bm):
    nb, k = _B // bm, emb.shape[1]
    n = we.shape[1]

    def body(e_ref, xn_ref, we_ref, wn_ref, zo_ref, so_ref):
        i = pl.program_id(0)
        z = (_dot16(e_ref[...], we_ref[...])
             + _dot16(xn_ref[...], wn_ref[...]))
        zo_ref[...] = z
        _stats_update(i, z, so_ref)

    return pl.pallas_call(
        body,
        grid=(nb,),
        in_specs=[
            pl.BlockSpec((bm, k), lambda i: (i, 0)),
            pl.BlockSpec((bm, _NNUM), lambda i: (i, 0)),
            pl.BlockSpec((k, n), lambda i: (0, 0)),
            pl.BlockSpec((_NNUM, n), lambda i: (0, 0)),
        ],
        out_specs=[
            pl.BlockSpec((bm, n), lambda i: (i, 0)),
            pl.BlockSpec((2, n), lambda i: (0, 0)),
        ],
        out_shape=[
            jax.ShapeDtypeStruct((_B, n), jnp.float32),
            jax.ShapeDtypeStruct((2, n), jnp.float32),
        ],
    )(emb, xn, we, wn)


def _pass_mid(z, s, g, bt, w, bm, out_dtype=jnp.bfloat16):
    nb, k = _B // bm, z.shape[1]
    n = w.shape[1]

    def body(z_ref, s_ref, g_ref, bt_ref, w_ref, zo_ref, so_ref):
        i = pl.program_id(0)
        a = _bn_relu(z_ref[...], s_ref, g_ref, bt_ref, _B)
        zz = _dot16(a, w_ref[...])
        zo_ref[...] = zz.astype(out_dtype)
        _stats_update(i, zz, so_ref)

    return pl.pallas_call(
        body,
        grid=(nb,),
        in_specs=[
            pl.BlockSpec((bm, k), lambda i: (i, 0)),
            pl.BlockSpec((2, k), lambda i: (0, 0)),
            pl.BlockSpec((k,), lambda i: (0,)),
            pl.BlockSpec((k,), lambda i: (0,)),
            pl.BlockSpec((k, n), lambda i: (0, 0)),
        ],
        out_specs=[
            pl.BlockSpec((bm, n), lambda i: (i, 0)),
            pl.BlockSpec((2, n), lambda i: (0, 0)),
        ],
        out_shape=[
            jax.ShapeDtypeStruct((_B, n), out_dtype),
            jax.ShapeDtypeStruct((2, n), jnp.float32),
        ],
    )(z, s, g, bt, w)


def _pass_head(z, s, g, bt, w, b, bm):
    nb, k = _B // bm, z.shape[1]

    def body(z_ref, s_ref, g_ref, bt_ref, w_ref, b_ref, o_ref):
        a = _bn_relu(z_ref[...], s_ref, g_ref, bt_ref, _B)
        o_ref[...] = _dot16(a, w_ref[...]) + b_ref[...]

    return pl.pallas_call(
        body,
        grid=(nb,),
        in_specs=[
            pl.BlockSpec((bm, k), lambda i: (i, 0)),
            pl.BlockSpec((2, k), lambda i: (0, 0)),
            pl.BlockSpec((k,), lambda i: (0,)),
            pl.BlockSpec((k,), lambda i: (0,)),
            pl.BlockSpec((k, 1), lambda i: (0, 0)),
            pl.BlockSpec((1,), lambda i: (0,)),
        ],
        out_specs=pl.BlockSpec((bm, 1), lambda i: (i, 0)),
        out_shape=jax.ShapeDtypeStruct((_B, 1), jnp.float32),
    )(z, s, g, bt, w, b)


def kernel(x_cat, x_num, x_biography, tables,
           W0, b0, g0, bt0,
           W1, b1, g1, bt1,
           W2, b2, g2, bt2,
           W3, b3, g3, bt3,
           W_out, b_out):
    del x_biography
    gather_k, nw, nch = _make_sc_gather()

    offs = (jnp.arange(_NCAT, dtype=jnp.int32) * _VOCAB)[None, :]
    idx = (x_cat.astype(jnp.int32) + offs).reshape(nw, nch, _CH)

    tabp = jnp.pad(tables, ((0, 0), (0, 0), (0, _EPAD - _EDIM)))
    tabp = tabp.reshape(_NCAT * _VOCAB, _EPAD)

    emb = gather_k(tabp, idx).reshape(_B, _NCAT * _EPAD)

    w0e = jnp.pad(W0[: _NCAT * _EDIM].reshape(_NCAT, _EDIM, -1),
                  ((0, 0), (0, _EPAD - _EDIM), (0, 0)))
    w0e = w0e.reshape(_NCAT * _EPAD, -1).astype(jnp.bfloat16)
    w0n = W0[_NCAT * _EDIM:].astype(jnp.bfloat16)

    z0, s0 = _pass_first(emb, x_num, w0e, w0n, bm=1024)
    w1, w2, w3, wo = (w.astype(jnp.bfloat16) for w in (W1, W2, W3, W_out))
    z1, s1 = _pass_mid(z0, s0, g0, bt0, w1, bm=1024, out_dtype=jnp.float32)
    z2, s2 = _pass_mid(z1, s1, g1, bt1, w2, bm=1024, out_dtype=jnp.float32)
    z3, s3 = _pass_mid(z2, s2, g2, bt2, w3, bm=1024, out_dtype=jnp.float32)
    return _pass_head(z3, s3, g3, bt3, wo, b_out, bm=2048)

# --- scband reference (transcript-rebuilt; emitter-appended) ---
"""Pipeline reference for scband-neural-net-w-emb-26147760898705 (READ-ONLY COPY).

The authoritative reference and input builder live on the scoring server;
editing this copy changes nothing except your own understanding.
"""

import jax, jax.numpy as jnp
import numpy as np

B = 16384
NCAT = 26
VOCAB = 100
EDIM = VOCAB // 2  # 50, per module: embedding_dim = len(classes_)//2
NNUM = 13
FFN = [1024, 1024, 512, 256]
IN_DIM = NCAT * EDIM + NNUM  # 1313
EPS = 1e-5


def setup_inputs(seed: int = 0) -> dict:
    key = jax.random.key(seed)
    ks = jax.random.split(key, 32)
    inp = {}
    inp["x_cat"] = jax.random.randint(ks[0], (B, NCAT), 0, VOCAB)
    inp["x_num"] = jax.random.normal(ks[1], (B, NNUM), dtype=jnp.float32)
    # x_biography is a tuple of strings in the original module and is unused in forward;
    # we pass a dummy int placeholder.
    inp["x_biography"] = jnp.zeros((B,), dtype=jnp.int32)
    # 26 embedding tables, all [100, 50], stacked into one array [26, 100, 50]
    inp["tables"] = jax.random.normal(ks[2], (NCAT, VOCAB, EDIM), dtype=jnp.float32) * 0.02
    dims = [IN_DIM] + FFN
    for i in range(4):
        inp[f"W{i}"] = jax.random.normal(ks[3 + 2 * i], (dims[i], dims[i + 1]), dtype=jnp.float32) * (1.0 / np.sqrt(dims[i]))
        inp[f"b{i}"] = jnp.zeros((dims[i + 1],), dtype=jnp.float32)
        inp[f"g{i}"] = jnp.ones((dims[i + 1],), dtype=jnp.float32)
        inp[f"bt{i}"] = jnp.zeros((dims[i + 1],), dtype=jnp.float32)
    inp["W_out"] = jax.random.normal(ks[20], (FFN[-1], 1), dtype=jnp.float32) * (1.0 / np.sqrt(FFN[-1]))
    inp["b_out"] = jnp.zeros((1,), dtype=jnp.float32)
    return inp


def _batchnorm(x, g, b):
    # BatchNorm1d training-mode normalization with batch statistics
    m = jnp.mean(x, axis=0, keepdims=True)
    v = jnp.var(x, axis=0, keepdims=True)
    return (x - m) / jnp.sqrt(v + EPS) * g + b


def reference(x_cat, x_num, x_biography, tables,
              W0, b0, g0, bt0,
              W1, b1, g1, bt1,
              W2, b2, g2, bt2,
              W3, b3, g3, bt3,
              W_out, b_out):
    # per-field embedding lookup: emb[b, i, :] = tables[i, x_cat[b, i], :]
    emb = tables[jnp.arange(NCAT)[None, :], x_cat]  # [B, 26, 50]
    x = jnp.concatenate([emb.reshape(x_cat.shape[0], -1), x_num], axis=1)  # [B, 1313]
    layers = [(W0, b0, g0, bt0), (W1, b1, g1, bt1), (W2, b2, g2, bt2), (W3, b3, g3, bt3)]
    for W, bb, g, bt in layers:
        x = x @ W + bb
        x = _batchnorm(x, g, bt)
        x = jax.nn.relu(x)
        # Dropout(0.2) treated as identity (deterministic eval)
    return x @ W_out + b_out  # [B, 1]

if __name__ == "__main__":
    import jax
    _d = setup_inputs()
    print(jax.jit(kernel)(*tuple(_d.values())))

</pallas_src>

<mosaic_0001>
#map = affine_map<(d0, d1) -> (0, 0)>
#map1 = affine_map<(d0, d1) -> (0, 0, 0)>
module attributes {stable_mosaic.version = 14 : i64} {
  func.func @gather_k(%arg0: i32, %arg1: i32, %arg2: memref<2600x64xf32, #tpu.memory_space<hbm>>, %arg3: memref<32x104x128xi32, #tpu.memory_space<hbm>>, %arg4: memref<425984x64xf32, #tpu.memory_space<hbm>>, %arg5: memref<104x128xi32, #tpu.memory_space<vmem>>, %arg6: memref<512x64xf32, #tpu.memory_space<vmem>>, %arg7: memref<512x64xf32, #tpu.memory_space<vmem>>, %arg8: memref<!tpu.dma_semaphore, #tpu.memory_space<semaphore_mem>>, %arg9: memref<!tpu.dma_semaphore, #tpu.memory_space<semaphore_mem>>) attributes {dimension_semantics = [#tpu.dimension_semantics<core_parallel>, #tpu.dimension_semantics<subcore_parallel>], iteration_bounds = array<i64: 2, 16>, scalar_prefetch = 0 : i64, scratch_operands = 5 : i64, tpu.core_type = #tpu.core_type<sc_vector_subcore>, window_params = [{transform_indices = #map}, {transform_indices = #map1}, {transform_indices = #map}]} {
    %mul3A = arith.constant 2 : i32
    %mul3A_0 = arith.muli %arg1, %mul3A : i32
    %add3A = arith.addi %mul3A_0, %arg0 : i32
    %mul3A_1 = arith.constant 13312 : i32
    %mul3A_2 = arith.muli %add3A, %mul3A_1 : i32
    "tpu.region"() ({
      %run_scoped3A = tpu.sem_alloc : memref<!tpu.dma_semaphore, #tpu.memory_space<semaphore_mem>>
      %dma_start3A_47 = arith.constant 0 : i32
      %dma_start3A_48 = arith.constant 0 : i32
      %dma_start3A_49 = tpu.memref_slice %arg3[%add3A, %dma_start3A_47, %dma_start3A_48] : memref<32x104x128xi32, #tpu.memory_space<hbm>> -> memref<1x104x128xi32, #tpu.memory_space<hbm>>
      %dma_start3A_50 = tpu.memref_squeeze %dma_start3A_49 : memref<1x104x128xi32, #tpu.memory_space<hbm>> -> memref<104x128xi32, #tpu.memory_space<hbm>>
      %dma_start3A_51 = arith.constant 0 : i32
      %dma_start3A_52 = arith.constant 0 : i32
      %dma_start3A_53 = tpu.memref_slice %arg3[%add3A, %dma_start3A_51, %dma_start3A_52] : memref<32x104x128xi32, #tpu.memory_space<hbm>> -> memref<1x104x128xi32, #tpu.memory_space<hbm>>
      %dma_start3A_54 = tpu.memref_squeeze %dma_start3A_53 : memref<1x104x128xi32, #tpu.memory_space<hbm>> -> memref<104x128xi32, #tpu.memory_space<hbm>>
      tpu.enqueue_dma source(%dma_start3A_54 : memref<104x128xi32, #tpu.memory_space<hbm>>) target(%arg5 : memref<104x128xi32, #tpu.memory_space<vmem>>) target_semaphore(%run_scoped3A : memref<!tpu.dma_semaphore, #tpu.memory_space<semaphore_mem>>)
      %dma_wait3A = arith.constant 0 : i32
      %dma_wait3A_55 = arith.constant 0 : i32
      %dma_wait3A_56 = tpu.memref_slice %arg3[%add3A, %dma_wait3A, %dma_wait3A_55] : memref<32x104x128xi32, #tpu.memory_space<hbm>> -> memref<1x104x128xi32, #tpu.memory_space<hbm>>
      %dma_wait3A_57 = tpu.memref_squeeze %dma_wait3A_56 : memref<1x104x128xi32, #tpu.memory_space<hbm>> -> memref<104x128xi32, #tpu.memory_space<hbm>>
      %dma_wait3A_58 = arith.constant 0 : i32
      %dma_wait3A_59 = arith.constant 0 : i32
      %dma_wait3A_60 = tpu.memref_slice %arg3[%add3A, %dma_wait3A_58, %dma_wait3A_59] : memref<32x104x128xi32, #tpu.memory_space<hbm>> -> memref<1x104x128xi32, #tpu.memory_space<hbm>>
      %dma_wait3A_61 = tpu.memref_squeeze %dma_wait3A_60 : memref<1x104x128xi32, #tpu.memory_space<hbm>> -> memref<104x128xi32, #tpu.memory_space<hbm>>
      tpu.wait_dma2 semaphore(%run_scoped3A : memref<!tpu.dma_semaphore, #tpu.memory_space<semaphore_mem>>) src(%dma_wait3A_61 : memref<104x128xi32, #tpu.memory_space<hbm>>) dst(%arg5 : memref<104x128xi32, #tpu.memory_space<vmem>>)
      tpu.yield
    }) : () -> ()
    %dma_start3A = arith.constant 0 : i32
    %dma_start3A_3 = arith.constant 0 : i32
    %dma_start3A_4 = arith.constant 0 : i32
    %dma_start3A_5 = tpu.memref_slice %arg6[%dma_start3A_3, %dma_start3A_4] : memref<512x64xf32, #tpu.memory_space<vmem>> -> memref<128x64xf32, #tpu.memory_space<vmem>>
    %dma_start3A_6 = arith.constant 0 : i32
    %dma_start3A_7 = tpu.memref_slice %arg5[%dma_start3A, %dma_start3A_6] : memref<104x128xi32, #tpu.memory_space<vmem>> -> memref<1x128xi32, #tpu.memory_space<vmem>>
    %dma_start3A_8 = tpu.memref_squeeze %dma_start3A_7 : memref<1x128xi32, #tpu.memory_space<vmem>> -> memref<128xi32, #tpu.memory_space<vmem>>
    %dma_start3A_9 = arith.constant 0 : i32
    %dma_start3A_10 = arith.constant 0 : i32
    %dma_start3A_11 = tpu.memref_slice %arg2[%dma_start3A_9, %dma_start3A_10] : memref<2600x64xf32, #tpu.memory_space<hbm>> -> memref<2600x64xf32, #tpu.memory_space<hbm>>
    tpu.enqueue_indirect_dma source(%dma_start3A_11 : memref<2600x64xf32, #tpu.memory_space<hbm>>) target(%dma_start3A_5 : memref<128x64xf32, #tpu.memory_space<vmem>>) offsets(%dma_start3A_8 : memref<128xi32, #tpu.memory_space<vmem>>) semaphore(%arg8 : memref<!tpu.dma_semaphore, #tpu.memory_space<semaphore_mem>>)
    %dma_start3A_12 = arith.constant 1 : i32
    %dma_start3A_13 = arith.constant 128 : i32
    %dma_start3A_14 = arith.constant 0 : i32
    %dma_start3A_15 = tpu.memref_slice %arg6[%dma_start3A_13, %dma_start3A_14] : memref<512x64xf32, #tpu.memory_space<vmem>> -> memref<128x64xf32, #tpu.memory_space<vmem>>
    %dma_start3A_16 = arith.constant 0 : i32
    %dma_start3A_17 = tpu.memref_slice %arg5[%dma_start3A_12, %dma_start3A_16] : memref<104x128xi32, #tpu.memory_space<vmem>> -> memref<1x128xi32, #tpu.memory_space<vmem>>
    %dma_start3A_18 = tpu.memref_squeeze %dma_start3A_17 : memref<1x128xi32, #tpu.memory_space<vmem>> -> memref<128xi32, #tpu.memory_space<vmem>>
    %dma_start3A_19 = arith.constant 0 : i32
    %dma_start3A_20 = arith.constant 0 : i32
    %dma_start3A_21 = tpu.memref_slice %arg2[%dma_start3A_19, %dma_start3A_20] : memref<2600x64xf32, #tpu.memory_space<hbm>> -> memref<2600x64xf32, #tpu.memory_space<hbm>>
    tpu.enqueue_indirect_dma source(%dma_start3A_21 : memref<2600x64xf32, #tpu.memory_space<hbm>>) target(%dma_start3A_15 : memref<128x64xf32, #tpu.memory_space<vmem>>) offsets(%dma_start3A_18 : memref<128xi32, #tpu.memory_space<vmem>>) semaphore(%arg8 : memref<!tpu.dma_semaphore, #tpu.memory_space<semaphore_mem>>)
    %dma_start3A_22 = arith.constant 2 : i32
    %dma_start3A_23 = arith.constant 256 : i32
    %dma_start3A_24 = arith.constant 0 : i32
    %dma_start3A_25 = tpu.memref_slice %arg6[%dma_start3A_23, %dma_start3A_24] : memref<512x64xf32, #tpu.memory_space<vmem>> -> memref<128x64xf32, #tpu.memory_space<vmem>>
    %dma_start3A_26 = arith.constant 0 : i32
    %dma_start3A_27 = tpu.memref_slice %arg5[%dma_start3A_22, %dma_start3A_26] : memref<104x128xi32, #tpu.memory_space<vmem>> -> memref<1x128xi32, #tpu.memory_space<vmem>>
    %dma_start3A_28 = tpu.memref_squeeze %dma_start3A_27 : memref<1x128xi32, #tpu.memory_space<vmem>> -> memref<128xi32, #tpu.memory_space<vmem>>
    %dma_start3A_29 = arith.constant 0 : i32
    %dma_start3A_30 = arith.constant 0 : i32
    %dma_start3A_31 = tpu.memref_slice %arg2[%dma_start3A_29, %dma_start3A_30] : memref<2600x64xf32, #tpu.memory_space<hbm>> -> memref<2600x64xf32, #tpu.memory_space<hbm>>
    tpu.enqueue_indirect_dma source(%dma_start3A_31 : memref<2600x64xf32, #tpu.memory_space<hbm>>) target(%dma_start3A_25 : memref<128x64xf32, #tpu.memory_space<vmem>>) offsets(%dma_start3A_28 : memref<128xi32, #tpu.memory_space<vmem>>) semaphore(%arg8 : memref<!tpu.dma_semaphore, #tpu.memory_space<semaphore_mem>>)
    %dma_start3A_32 = arith.constant 3 : i32
    %dma_start3A_33 = arith.constant 384 : i32
    %dma_start3A_34 = arith.constant 0 : i32
    %dma_start3A_35 = tpu.memref_slice %arg6[%dma_start3A_33, %dma_start3A_34] : memref<512x64xf32, #tpu.memory_space<vmem>> -> memref<128x64xf32, #tpu.memory_space<vmem>>
    %dma_start3A_36 = arith.constant 0 : i32
    %dma_start3A_37 = tpu.memref_slice %arg5[%dma_start3A_32, %dma_start3A_36] : memref<104x128xi32, #tpu.memory_space<vmem>> -> memref<1x128xi32, #tpu.memory_space<vmem>>
    %dma_start3A_38 = tpu.memref_squeeze %dma_start3A_37 : memref<1x128xi32, #tpu.memory_space<vmem>> -> memref<128xi32, #tpu.memory_space<vmem>>
    %dma_start3A_39 = arith.constant 0 : i32
    %dma_start3A_40 = arith.constant 0 : i32
    %dma_start3A_41 = tpu.memref_slice %arg2[%dma_start3A_39, %dma_start3A_40] : memref<2600x64xf32, #tpu.memory_space<hbm>> -> memref<2600x64xf32, #tpu.memory_space<hbm>>
    tpu.enqueue_indirect_dma source(%dma_start3A_41 : memref<2600x64xf32, #tpu.memory_space<hbm>>) target(%dma_start3A_35 : memref<128x64xf32, #tpu.memory_space<vmem>>) offsets(%dma_start3A_38 : memref<128xi32, #tpu.memory_space<vmem>>) semaphore(%arg8 : memref<!tpu.dma_semaphore, #tpu.memory_space<semaphore_mem>>)
    %scan3A = arith.constant 0 : i32
    %scan3A_42 = arith.constant 0 : i32
    %scan3A_43 = arith.constant 13 : i32
    %scan3A_44 = arith.addi %scan3A_42, %scan3A_43 : i32
    %scan3A_45 = arith.constant 1 : i32
    scf.for %scan3A_47 = %scan3A_42 to %scan3A_44 step %scan3A_45  : i32 {
      %mul3A_48 = arith.constant 2 : i32
      %mul3A_49 = arith.muli %mul3A_48, %scan3A_47 : i32
      %add3A_50 = arith.constant 1 : i32
      %add3A_51 = arith.addi %mul3A_49, %add3A_50 : i32
      %mul3A_52 = arith.constant 4 : i32
      %mul3A_53 = arith.muli %add3A_51, %mul3A_52 : i32
      %add3A_54 = arith.constant 0 : i32
      %add3A_55 = arith.addi %mul3A_53, %add3A_54 : i32
      %dma_start3A_56 = arith.constant 0 : i32
      %dma_start3A_57 = arith.constant 0 : i32
      %dma_start3A_58 = tpu.memref_slice %arg7[%dma_start3A_56, %dma_start3A_57] : memref<512x64xf32, #tpu.memory_space<vmem>> -> memref<128x64xf32, #tpu.memory_space<vmem>>
      %dma_start3A_59 = arith.constant 0 : i32
      %dma_start3A_60 = tpu.memref_slice %arg5[%add3A_55, %dma_start3A_59] : memref<104x128xi32, #tpu.memory_space<vmem>> -> memref<1x128xi32, #tpu.memory_space<vmem>>
      %dma_start3A_61 = tpu.memref_squeeze %dma_start3A_60 : memref<1x128xi32, #tpu.memory_space<vmem>> -> memref<128xi32, #tpu.memory_space<vmem>>
      %dma_start3A_62 = arith.constant 0 : i32
      %dma_start3A_63 = arith.constant 0 : i32
      %dma_start3A_64 = tpu.memref_slice %arg2[%dma_start3A_62, %dma_start3A_63] : memref<2600x64xf32, #tpu.memory_space<hbm>> -> memref<2600x64xf32, #tpu.memory_space<hbm>>
      tpu.enqueue_indirect_dma source(%dma_start3A_64 : memref<2600x64xf32, #tpu.memory_space<hbm>>) target(%dma_start3A_58 : memref<128x64xf32, #tpu.memory_space<vmem>>) offsets(%dma_start3A_61 : memref<128xi32, #tpu.memory_space<vmem>>) semaphore(%arg9 : memref<!tpu.dma_semaphore, #tpu.memory_space<semaphore_mem>>)
      %mul3A_65 = arith.constant 4 : i32
      %mul3A_66 = arith.muli %add3A_51, %mul3A_65 : i32
      %add3A_67 = arith.constant 1 : i32
      %add3A_68 = arith.addi %mul3A_66, %add3A_67 : i32
      %dma_start3A_69 = arith.constant 128 : i32
      %dma_start3A_70 = arith.constant 0 : i32
      %dma_start3A_71 = tpu.memref_slice %arg7[%dma_start3A_69, %dma_start3A_70] : memref<512x64xf32, #tpu.memory_space<vmem>> -> memref<128x64xf32, #tpu.memory_space<vmem>>
      %dma_start3A_72 = arith.constant 0 : i32
      %dma_start3A_73 = tpu.memref_slice %arg5[%add3A_68, %dma_start3A_72] : memref<104x128xi32, #tpu.memory_space<vmem>> -> memref<1x128xi32, #tpu.memory_space<vmem>>
      %dma_start3A_74 = tpu.memref_squeeze %dma_start3A_73 : memref<1x128xi32, #tpu.memory_space<vmem>> -> memref<128xi32, #tpu.memory_space<vmem>>
      %dma_start3A_75 = arith.constant 0 : i32
      %dma_start3A_76 = arith.constant 0 : i32
      %dma_start3A_77 = tpu.memref_slice %arg2[%dma_start3A_75, %dma_start3A_76] : memref<2600x64xf32, #tpu.memory_space<hbm>> -> memref<2600x64xf32, #tpu.memory_space<hbm>>
      tpu.enqueue_indirect_dma source(%dma_start3A_77 : memref<2600x64xf32, #tpu.memory_space<hbm>>) target(%dma_start3A_71 : memref<128x64xf32, #tpu.memory_space<vmem>>) offsets(%dma_start3A_74 : memref<128xi32, #tpu.memory_space<vmem>>) semaphore(%arg9 : memref<!tpu.dma_semaphore, #tpu.memory_space<semaphore_mem>>)
      %mul3A_78 = arith.constant 4 : i32
      %mul3A_79 = arith.muli %add3A_51, %mul3A_78 : i32
      %add3A_80 = arith.constant 2 : i32
      %add3A_81 = arith.addi %mul3A_79, %add3A_80 : i32
      %dma_start3A_82 = arith.constant 256 : i32
      %dma_start3A_83 = arith.constant 0 : i32
      %dma_start3A_84 = tpu.memref_slice %arg7[%dma_start3A_82, %dma_start3A_83] : memref<512x64xf32, #tpu.memory_space<vmem>> -> memref<128x64xf32, #tpu.memory_space<vmem>>
      %dma_start3A_85 = arith.constant 0 : i32
      %dma_start3A_86 = tpu.memref_slice %arg5[%add3A_81, %dma_start3A_85] : memref<104x128xi32, #tpu.memory_space<vmem>> -> memref<1x128xi32, #tpu.memory_space<vmem>>
      %dma_start3A_87 = tpu.memref_squeeze %dma_start3A_86 : memref<1x128xi32, #tpu.memory_space<vmem>> -> memref<128xi32, #tpu.memory_space<vmem>>
      %dma_start3A_88 = arith.constant 0 : i32
      %dma_start3A_89 = arith.constant 0 : i32
      %dma_start3A_90 = tpu.memref_slice %arg2[%dma_start3A_88, %dma_start3A_89] : memref<2600x64xf32, #tpu.memory_space<hbm>> -> memref<2600x64xf32, #tpu.memory_space<hbm>>
      tpu.enqueue_indirect_dma source(%dma_start3A_90 : memref<2600x64xf32, #tpu.memory_space<hbm>>) target(%dma_start3A_84 : memref<128x64xf32, #tpu.memory_space<vmem>>) offsets(%dma_start3A_87 : memref<128xi32, #tpu.memory_space<vmem>>) semaphore(%arg9 : memref<!tpu.dma_semaphore, #tpu.memory_space<semaphore_mem>>)
      %mul3A_91 = arith.constant 4 : i32
      %mul3A_92 = arith.muli %add3A_51, %mul3A_91 : i32
      %add3A_93 = arith.constant 3 : i32
      %add3A_94 = arith.addi %mul3A_92, %add3A_93 : i32
      %dma_start3A_95 = arith.constant 384 : i32
      %dma_start3A_96 = arith.constant 0 : i32
      %dma_start3A_97 = tpu.memref_slice %arg7[%dma_start3A_95, %dma_start3A_96] : memref<512x64xf32, #tpu.memory_space<vmem>> -> memref<128x64xf32, #tpu.memory_space<vmem>>
      %dma_start3A_98 = arith.constant 0 : i32
      %dma_start3A_99 = tpu.memref_slice %arg5[%add3A_94, %dma_start3A_98] : memref<104x128xi32, #tpu.memory_space<vmem>> -> memref<1x128xi32, #tpu.memory_space<vmem>>
      %dma_start3A_100 = tpu.memref_squeeze %dma_start3A_99 : memref<1x128xi32, #tpu.memory_space<vmem>> -> memref<128xi32, #tpu.memory_space<vmem>>
      %dma_start3A_101 = arith.constant 0 : i32
      %dma_start3A_102 = arith.constant 0 : i32
      %dma_start3A_103 = tpu.memref_slice %arg2[%dma_start3A_101, %dma_start3A_102] : memref<2600x64xf32, #tpu.memory_space<hbm>> -> memref<2600x64xf32, #tpu.memory_space<hbm>>
      tpu.enqueue_indirect_dma source(%dma_start3A_103 : memref<2600x64xf32, #tpu.memory_space<hbm>>) target(%dma_start3A_97 : memref<128x64xf32, #tpu.memory_space<vmem>>) offsets(%dma_start3A_100 : memref<128xi32, #tpu.memory_space<vmem>>) semaphore(%arg9 : memref<!tpu.dma_semaphore, #tpu.memory_space<semaphore_mem>>)
      %dma_wait3A = arith.constant 0 : i32
      %dma_wait3A_104 = arith.constant 0 : i32
      %dma_wait3A_105 = tpu.memref_slice %arg2[%dma_wait3A, %dma_wait3A_104] : memref<2600x64xf32, #tpu.memory_space<hbm>> -> memref<512x64xf32, #tpu.memory_space<hbm>>
      %dma_wait3A_106 = arith.constant 0 : i32
      %dma_wait3A_107 = arith.constant 0 : i32
      %dma_wait3A_108 = tpu.memref_slice %arg2[%dma_wait3A_106, %dma_wait3A_107] : memref<2600x64xf32, #tpu.memory_space<hbm>> -> memref<512x64xf32, #tpu.memory_space<hbm>>
      tpu.wait_dma2 semaphore(%arg8 : memref<!tpu.dma_semaphore, #tpu.memory_space<semaphore_mem>>) src(%dma_wait3A_108 : memref<512x64xf32, #tpu.memory_space<hbm>>) dst(%arg6 : memref<512x64xf32, #tpu.memory_space<vmem>>)
      %mul3A_109 = arith.constant 512 : i32
      %mul3A_110 = arith.muli %mul3A_49, %mul3A_109 : i32
      %add3A_111 = arith.addi %mul3A_2, %mul3A_110 : i32
      "tpu.region"() ({
        %run_scoped3A = tpu.sem_alloc : memref<!tpu.dma_semaphore, #tpu.memory_space<semaphore_mem>>
        %dma_start3A_123 = arith.constant 0 : i32
        %dma_start3A_124 = tpu.memref_slice %arg4[%add3A_111, %dma_start3A_123] : memref<425984x64xf32, #tpu.memory_space<hbm>> -> memref<512x64xf32, #tpu.memory_space<hbm>>
        %dma_start3A_125 = arith.constant 0 : i32
        %dma_start3A_126 = tpu.memref_slice %arg4[%add3A_111, %dma_start3A_125] : memref<425984x64xf32, #tpu.memory_space<hbm>> -> memref<512x64xf32, #tpu.memory_space<hbm>>
        tpu.enqueue_dma source(%arg6 : memref<512x64xf32, #tpu.memory_space<vmem>>) target(%dma_start3A_126 : memref<512x64xf32, #tpu.memory_space<hbm>>) target_semaphore(%run_scoped3A : memref<!tpu.dma_semaphore, #tpu.memory_space<semaphore_mem>>)
        %dma_wait3A_127 = arith.constant 0 : i32
        %dma_wait3A_128 = tpu.memref_slice %arg4[%add3A_111, %dma_wait3A_127] : memref<425984x64xf32, #tpu.memory_space<hbm>> -> memref<512x64xf32, #tpu.memory_space<hbm>>
        %dma_wait3A_129 = arith.constant 0 : i32
        %dma_wait3A_130 = tpu.memref_slice %arg4[%add3A_111, %dma_wait3A_129] : memref<425984x64xf32, #tpu.memory_space<hbm>> -> memref<512x64xf32, #tpu.memory_space<hbm>>
        tpu.wait_dma2 semaphore(%run_scoped3A : memref<!tpu.dma_semaphore, #tpu.memory_space<semaphore_mem>>) src(%arg6 : memref<512x64xf32, #tpu.memory_space<vmem>>) dst(%dma_wait3A_130 : memref<512x64xf32, #tpu.memory_space<hbm>>)
        tpu.yield
      }) : () -> ()
      %lt3A = arith.constant 12 : i32
      %lt3A_112 = arith.cmpi slt, %scan3A_47, %lt3A : i32
      %convert_element_type3A = arith.extui %lt3A_112 : i1 to i32
      %cond3A = arith.constant 0 : i32
      %cond3A_113 = arith.cmpi ne, %convert_element_type3A, %cond3A : i32
      scf.if %cond3A_113 {
        %add3A_123 = arith.constant 1 : i32
        %add3A_124 = arith.addi %add3A_51, %add3A_123 : i32
        %mul3A_125 = arith.constant 4 : i32
        %mul3A_126 = arith.muli %add3A_124, %mul3A_125 : i32
        %add3A_127 = arith.constant 0 : i32
        %add3A_128 = arith.addi %mul3A_126, %add3A_127 : i32
        %dma_start3A_129 = arith.constant 0 : i32
        %dma_start3A_130 = arith.constant 0 : i32
        %dma_start3A_131 = tpu.memref_slice %arg6[%dma_start3A_129, %dma_start3A_130] : memref<512x64xf32, #tpu.memory_space<vmem>> -> memref<128x64xf32, #tpu.memory_space<vmem>>
        %dma_start3A_132 = arith.constant 0 : i32
        %dma_start3A_133 = tpu.memref_slice %arg5[%add3A_128, %dma_start3A_132] : memref<104x128xi32, #tpu.memory_space<vmem>> -> memref<1x128xi32, #tpu.memory_space<vmem>>
        %dma_start3A_134 = tpu.memref_squeeze %dma_start3A_133 : memref<1x128xi32, #tpu.memory_space<vmem>> -> memref<128xi32, #tpu.memory_space<vmem>>
        %dma_start3A_135 = arith.constant 0 : i32
        %dma_start3A_136 = arith.constant 0 : i32
        %dma_start3A_137 = tpu.memref_slice %arg2[%dma_start3A_135, %dma_start3A_136] : memref<2600x64xf32, #tpu.memory_space<hbm>> -> memref<2600x64xf32, #tpu.memory_space<hbm>>
        tpu.enqueue_indirect_dma source(%dma_start3A_137 : memref<2600x64xf32, #tpu.memory_space<hbm>>) target(%dma_start3A_131 : memref<128x64xf32, #tpu.memory_space<vmem>>) offsets(%dma_start3A_134 : memref<128xi32, #tpu.memory_space<vmem>>) semaphore(%arg8 : memref<!tpu.dma_semaphore, #tpu.memory_space<semaphore_mem>>)
        %mul3A_138 = arith.constant 4 : i32
        %mul3A_139 = arith.muli %add3A_124, %mul3A_138 : i32
        %add3A_140 = arith.constant 1 : i32
        %add3A_141 = arith.addi %mul3A_139, %add3A_140 : i32
        %dma_start3A_142 = arith.constant 128 : i32
        %dma_start3A_143 = arith.constant 0 : i32
        %dma_start3A_144 = tpu.memref_slice %arg6[%dma_start3A_142, %dma_start3A_143] : memref<512x64xf32, #tpu.memory_space<vmem>> -> memref<128x64xf32, #tpu.memory_space<vmem>>
        %dma_start3A_145 = arith.constant 0 : i32
        %dma_start3A_146 = tpu.memref_slice %arg5[%add3A_141, %dma_start3A_145] : memref<104x128xi32, #tpu.memory_space<vmem>> -> memref<1x128xi32, #tpu.memory_space<vmem>>
        %dma_start3A_147 = tpu.memref_squeeze %dma_start3A_146 : memref<1x128xi32, #tpu.memory_space<vmem>> -> memref<128xi32, #tpu.memory_space<vmem>>
        %dma_start3A_148 = arith.constant 0 : i32
        %dma_start3A_149 = arith.constant 0 : i32
        %dma_start3A_150 = tpu.memref_slice %arg2[%dma_start3A_148, %dma_start3A_149] : memref<2600x64xf32, #tpu.memory_space<hbm>> -> memref<2600x64xf32, #tpu.memory_space<hbm>>
        tpu.enqueue_indirect_dma source(%dma_start3A_150 : memref<2600x64xf32, #tpu.memory_space<hbm>>) target(%dma_start3A_144 : memref<128x64xf32, #tpu.memory_space<vmem>>) offsets(%dma_start3A_147 : memref<128xi32, #tpu.memory_space<vmem>>) semaphore(%arg8 : memref<!tpu.dma_semaphore, #tpu.memory_space<semaphore_mem>>)
        %mul3A_151 = arith.constant 4 : i32
        %mul3A_152 = arith.muli %add3A_124, %mul3A_151 : i32
        %add3A_153 = arith.constant 2 : i32
        %add3A_154 = arith.addi %mul3A_152, %add3A_153 : i32
        %dma_start3A_155 = arith.constant 256 : i32
        %dma_start3A_156 = arith.constant 0 : i32
        %dma_start3A_157 = tpu.memref_slice %arg6[%dma_start3A_155, %dma_start3A_156] : memref<512x64xf32, #tpu.memory_space<vmem>> -> memref<128x64xf32, #tpu.memory_space<vmem>>
        %dma_start3A_158 = arith.constant 0 : i32
        %dma_start3A_159 = tpu.memref_slice %arg5[%add3A_154, %dma_start3A_158] : memref<104x128xi32, #tpu.memory_space<vmem>> -> memref<1x128xi32, #tpu.memory_space<vmem>>
        %dma_start3A_160 = tpu.memref_squeeze %dma_start3A_159 : memref<1x128xi32, #tpu.memory_space<vmem>> -> memref<128xi32, #tpu.memory_space<vmem>>
        %dma_start3A_161 = arith.constant 0 : i32
        %dma_start3A_162 = arith.constant 0 : i32
        %dma_start3A_163 = tpu.memref_slice %arg2[%dma_start3A_161, %dma_start3A_162] : memref<2600x64xf32, #tpu.memory_space<hbm>> -> memref<2600x64xf32, #tpu.memory_space<hbm>>
        tpu.enqueue_indirect_dma source(%dma_start3A_163 : memref<2600x64xf32, #tpu.memory_space<hbm>>) target(%dma_start3A_157 : memref<128x64xf32, #tpu.memory_space<vmem>>) offsets(%dma_start3A_160 : memref<128xi32, #tpu.memory_space<vmem>>) semaphore(%arg8 : memref<!tpu.dma_semaphore, #tpu.memory_space<semaphore_mem>>)
        %mul3A_164 = arith.constant 4 : i32
        %mul3A_165 = arith.muli %add3A_124, %mul3A_164 : i32
        %add3A_166 = arith.constant 3 : i32
        %add3A_167 = arith.addi %mul3A_165, %add3A_166 : i32
        %dma_start3A_168 = arith.constant 384 : i32
        %dma_start3A_169 = arith.constant 0 : i32
        %dma_start3A_170 = tpu.memref_slice %arg6[%dma_start3A_168, %dma_start3A_169] : memref<512x64xf32, #tpu.memory_space<vmem>> -> memref<128x64xf32, #tpu.memory_space<vmem>>
        %dma_start3A_171 = arith.constant 0 : i32
        %dma_start3A_172 = tpu.memref_slice %arg5[%add3A_167, %dma_start3A_171] : memref<104x128xi32, #tpu.memory_space<vmem>> -> memref<1x128xi32, #tpu.memory_space<vmem>>
        %dma_start3A_173 = tpu.memref_squeeze %dma_start3A_172 : memref<1x128xi32, #tpu.memory_space<vmem>> -> memref<128xi32, #tpu.memory_space<vmem>>
        %dma_start3A_174 = arith.constant 0 : i32
        %dma_start3A_175 = arith.constant 0 : i32
        %dma_start3A_176 = tpu.memref_slice %arg2[%dma_start3A_174, %dma_start3A_175] : memref<2600x64xf32, #tpu.memory_space<hbm>> -> memref<2600x64xf32, #tpu.memory_space<hbm>>
        tpu.enqueue_indirect_dma source(%dma_start3A_176 : memref<2600x64xf32, #tpu.memory_space<hbm>>) target(%dma_start3A_170 : memref<128x64xf32, #tpu.memory_space<vmem>>) offsets(%dma_start3A_173 : memref<128xi32, #tpu.memory_space<vmem>>) semaphore(%arg8 : memref<!tpu.dma_semaphore, #tpu.memory_space<semaphore_mem>>)
      } else {
      }
      %dma_wait3A_114 = arith.constant 0 : i32
      %dma_wait3A_115 = arith.constant 0 : i32
      %dma_wait3A_116 = tpu.memref_slice %arg2[%dma_wait3A_114, %dma_wait3A_115] : memref<2600x64xf32, #tpu.memory_space<hbm>> -> memref<512x64xf32, #tpu.memory_space<hbm>>
      %dma_wait3A_117 = arith.constant 0 : i32
      %dma_wait3A_118 = arith.constant 0 : i32
      %dma_wait3A_119 = tpu.memref_slice %arg2[%dma_wait3A_117, %dma_wait3A_118] : memref<2600x64xf32, #tpu.memory_space<hbm>> -> memref<512x64xf32, #tpu.memory_space<hbm>>
      tpu.wait_dma2 semaphore(%arg9 : memref<!tpu.dma_semaphore, #tpu.memory_space<semaphore_mem>>) src(%dma_wait3A_119 : memref<512x64xf32, #tpu.memory_space<hbm>>) dst(%arg7 : memref<512x64xf32, #tpu.memory_space<vmem>>)
      %mul3A_120 = arith.constant 512 : i32
      %mul3A_121 = arith.muli %add3A_51, %mul3A_120 : i32
      %add3A_122 = arith.addi %mul3A_2, %mul3A_121 : i32
      "tpu.region"() ({
        %run_scoped3A = tpu.sem_alloc : memref<!tpu.dma_semaphore, #tpu.memory_space<semaphore_mem>>
        %dma_start3A_123 = arith.constant 0 : i32
        %dma_start3A_124 = tpu.memref_slice %arg4[%add3A_122, %dma_start3A_123] : memref<425984x64xf32, #tpu.memory_space<hbm>> -> memref<512x64xf32, #tpu.memory_space<hbm>>
        %dma_start3A_125 = arith.constant 0 : i32
        %dma_start3A_126 = tpu.memref_slice %arg4[%add3A_122, %dma_start3A_125] : memref<425984x64xf32, #tpu.memory_space<hbm>> -> memref<512x64xf32, #tpu.memory_space<hbm>>
        tpu.enqueue_dma source(%arg7 : memref<512x64xf32, #tpu.memory_space<vmem>>) target(%dma_start3A_126 : memref<512x64xf32, #tpu.memory_space<hbm>>) target_semaphore(%run_scoped3A : memref<!tpu.dma_semaphore, #tpu.memory_space<semaphore_mem>>)
        %dma_wait3A_127 = arith.constant 0 : i32
        %dma_wait3A_128 = tpu.memref_slice %arg4[%add3A_122, %dma_wait3A_127] : memref<425984x64xf32, #tpu.memory_space<hbm>> -> memref<512x64xf32, #tpu.memory_space<hbm>>
        %dma_wait3A_129 = arith.constant 0 : i32
        %dma_wait3A_130 = tpu.memref_slice %arg4[%add3A_122, %dma_wait3A_129] : memref<425984x64xf32, #tpu.memory_space<hbm>> -> memref<512x64xf32, #tpu.memory_space<hbm>>
        tpu.wait_dma2 semaphore(%run_scoped3A : memref<!tpu.dma_semaphore, #tpu.memory_space<semaphore_mem>>) src(%arg7 : memref<512x64xf32, #tpu.memory_space<vmem>>) dst(%dma_wait3A_130 : memref<512x64xf32, #tpu.memory_space<hbm>>)
        tpu.yield
      }) : () -> ()
    }
    %scan3A_46 = arith.constant 13 : i32
    return
  }
}

module attributes {stable_mosaic.version = 14 : i64} {
  func.func @body(%arg0: i32, %arg1: memref<1024x1664xf32, #tpu.memory_space<vmem>>, %arg2: memref<1024x13xf32, #tpu.memory_space<vmem>>, %arg3: memref<1664x1024xbf16, #tpu.memory_space<vmem>>, %arg4: memref<13x1024xbf16, #tpu.memory_space<vmem>>, %arg5: memref<1024x1024xf32, #tpu.memory_space<vmem>>, %arg6: memref<2x1024xf32, #tpu.memory_space<vmem>>) attributes {dimension_semantics = [#tpu.dimension_semantics<arbitrary>], iteration_bounds = array<i64: 16>, scalar_prefetch = 0 : i64, scratch_operands = 0 : i64, tpu.core_type = #tpu.core_type<tc>, window_params = [{transform_indices = @transform_0, window_bounds = array<i64: 1024, 1664>}, {transform_indices = @transform_1, window_bounds = array<i64: 1024, 13>}, {pipeline_mode = #tpu.pipeline_mode<synchronous>, transform_indices = @transform_2, window_bounds = array<i64: 1664, 1024>}, {pipeline_mode = #tpu.pipeline_mode<synchronous>, transform_indices = @transform_3, window_bounds = array<i64: 13, 1024>}, {transform_indices = @transform_4, window_bounds = array<i64: 1024, 1024>}, {pipeline_mode = #tpu.pipeline_mode<synchronous>, transform_indices = @transform_5, window_bounds = array<i64: 2, 1024>}]} {
    %get3A = arith.constant 0 : index
    %get3A_0 = arith.constant 0 : index
    %get3A_1 = vector.load %arg1[%get3A, %get3A_0] : memref<1024x1664xf32, #tpu.memory_space<vmem>>, vector<1024x1664xf32>
    %get3A_2 = arith.constant 0 : index
    %get3A_3 = arith.constant 0 : index
    %get3A_4 = vector.load %arg3[%get3A_2, %get3A_3] : memref<1664x1024xbf16, #tpu.memory_space<vmem>>, vector<1664x1024xbf16>
    %convert_element_type3A = arith.truncf %get3A_1 : vector<1024x1664xf32> to vector<1024x1664xbf16>
    %dot_general3A = arith.constant dense<0.000000e+00> : vector<1024x1024xf32>
    %dot_general3A_5 = tpu.matmul %convert_element_type3A, %get3A_4, %dot_general3A {dimension_numbers = #tpu.dot_dimension_numbers<[1], [0], [0], [1], [0, 0, 1, 1], [], []>, transpose_lhs_hint = false} : vector<1024x1664xbf16>, vector<1664x1024xbf16>, vector<1024x1024xf32> -> vector<1024x1024xf32>
    %get3A_6 = arith.constant 0 : index
    %get3A_7 = arith.constant 0 : index
    %get3A_8 = vector.load %arg2[%get3A_6, %get3A_7] : memref<1024x13xf32, #tpu.memory_space<vmem>>, vector<1024x13xf32>
    %get3A_9 = arith.constant 0 : index
    %get3A_10 = arith.constant 0 : index
    %get3A_11 = vector.load %arg4[%get3A_9, %get3A_10] : memref<13x1024xbf16, #tpu.memory_space<vmem>>, vector<13x1024xbf16>
    %convert_element_type3A_12 = arith.truncf %get3A_8 : vector<1024x13xf32> to vector<1024x13xbf16>
    %dot_general3A_13 = arith.constant dense<0.000000e+00> : vector<1024x1024xf32>
    %dot_general3A_14 = tpu.matmul %convert_element_type3A_12, %get3A_11, %dot_general3A_13 {dimension_numbers = #tpu.dot_dimension_numbers<[1], [0], [0], [1], [0, 0, 1, 1], [], []>, transpose_lhs_hint = false} : vector<1024x13xbf16>, vector<13x1024xbf16>, vector<1024x1024xf32> -> vector<1024x1024xf32>
    %add3A = arith.addf %dot_general3A_5, %dot_general3A_14 : vector<1024x1024xf32>
    %swap3A = arith.constant 0 : index
    %swap3A_15 = arith.constant 0 : index
    %swap3A_16 = vector.load %arg5[%swap3A, %swap3A_15] : memref<1024x1024xf32, #tpu.memory_space<vmem>>, vector<1024x1024xf32>
    tpu.vector_store %arg5[%swap3A, %swap3A_15], %add3A {strides = array<i32>} : memref<1024x1024xf32, #tpu.memory_space<vmem>>, vector<1024x1024xf32>,
    %reduce_sum3A = arith.constant dense<0.000000e+00> : vector<1024xf32>
    %reduce_sum3A_17 = vector.multi_reduction <add>, %add3A, %reduce_sum3A [0] : vector<1024x1024xf32> to vector<1024xf32>
    %broadcast_in_dim3A = vector.shape_cast %reduce_sum3A_17 : vector<1024xf32> to vector<1x1024xf32>
    %mul3A = arith.mulf %add3A, %add3A : vector<1024x1024xf32>
    %reduce_sum3A_18 = arith.constant dense<0.000000e+00> : vector<1024xf32>
    %reduce_sum3A_19 = vector.multi_reduction <add>, %mul3A, %reduce_sum3A_18 [0] : vector<1024x1024xf32> to vector<1024xf32>
    %broadcast_in_dim3A_20 = vector.shape_cast %reduce_sum3A_19 : vector<1024xf32> to vector<1x1024xf32>
    %concatenate3A = tpu.concatenate %broadcast_in_dim3A, %broadcast_in_dim3A_20 in 0 : vector<1x1024xf32>, vector<1x1024xf32> -> vector<2x1024xf32>
    %eq3A = arith.constant 0 : i32
    %eq3A_21 = arith.cmpi eq, %arg0, %eq3A : i32
    %convert_element_type3A_22 = arith.extui %eq3A_21 : i1 to i32
    %cond3A = arith.constant 0 : i32
    %cond3A_23 = arith.cmpi ne, %convert_element_type3A_22, %cond3A : i32
    scf.if %cond3A_23 {
      %swap3A_28 = arith.constant 0 : index
      %swap3A_29 = arith.constant 0 : index
      %swap3A_30 = vector.load %arg6[%swap3A_28, %swap3A_29] : memref<2x1024xf32, #tpu.memory_space<vmem>>, vector<2x1024xf32>
      tpu.vector_store %arg6[%swap3A_28, %swap3A_29], %concatenate3A {strides = array<i32>} : memref<2x1024xf32, #tpu.memory_space<vmem>>, vector<2x1024xf32>,
    } else {
    }
    %gt3A = arith.constant 0 : i32
    %gt3A_24 = arith.cmpi sgt, %arg0, %gt3A : i32
    %convert_element_type3A_25 = arith.extui %gt3A_24 : i1 to i32
    %cond3A_26 = arith.constant 0 : i32
    %cond3A_27 = arith.cmpi ne, %convert_element_type3A_25, %cond3A_26 : i32
    scf.if %cond3A_27 {
      %get3A_28 = arith.constant 0 : index
      %get3A_29 = arith.constant 0 : index
      %get3A_30 = vector.load %arg6[%get3A_28, %get3A_29] : memref<2x1024xf32, #tpu.memory_space<vmem>>, vector<2x1024xf32>
      %add3A_31 = arith.addf %get3A_30, %concatenate3A : vector<2x1024xf32>
      %swap3A_32 = arith.constant 0 : index
      %swap3A_33 = arith.constant 0 : index
      %swap3A_34 = vector.load %arg6[%swap3A_32, %swap3A_33] : memref<2x1024xf32, #tpu.memory_space<vmem>>, vector<2x1024xf32>
      tpu.vector_store %arg6[%swap3A_32, %swap3A_33], %add3A_31 {strides = array<i32>} : memref<2x1024xf32, #tpu.memory_space<vmem>>, vector<2x1024xf32>,
    } else {
    }
    return
  }
  func.func @transform_0(%arg0: i32) -> (i32, i32) {
    %c0_i32 = arith.constant 0 : i32
    %c0_i32_0 = arith.constant 0 : i32
    return %arg0, %c0_i32 : i32, i32
  }
  func.func @transform_1(%arg0: i32) -> (i32, i32) {
    %c0_i32 = arith.constant 0 : i32
    %c0_i32_0 = arith.constant 0 : i32
    return %arg0, %c0_i32 : i32, i32
  }
  func.func @transform_2(%arg0: i32) -> (i32, i32) {
    %c0_i32 = arith.constant 0 : i32
    %c0_i32_0 = arith.constant 0 : i32
    %c0_i32_1 = arith.constant 0 : i32
    return %c0_i32, %c0_i32_0 : i32, i32
  }
  func.func @transform_3(%arg0: i32) -> (i32, i32) {
    %c0_i32 = arith.constant 0 : i32
    %c0_i32_0 = arith.constant 0 : i32
    %c0_i32_1 = arith.constant 0 : i32
    return %c0_i32, %c0_i32_0 : i32, i32
  }
  func.func @transform_4(%arg0: i32) -> (i32, i32) {
    %c0_i32 = arith.constant 0 : i32
    %c0_i32_0 = arith.constant 0 : i32
    return %arg0, %c0_i32 : i32, i32
  }
  func.func @transform_5(%arg0: i32) -> (i32, i32) {
    %c0_i32 = arith.constant 0 : i32
    %c0_i32_0 = arith.constant 0 : i32
    %c0_i32_1 = arith.constant 0 : i32
    return %c0_i32, %c0_i32_0 : i32, i32
  }
}

module attributes {stable_mosaic.version = 14 : i64} {
  func.func @body(%arg0: i32, %arg1: memref<1024x1024xf32, #tpu.memory_space<vmem>>, %arg2: memref<2x1024xf32, #tpu.memory_space<vmem>>, %arg3: memref<1024xf32, #tpu.memory_space<vmem>>, %arg4: memref<1024xf32, #tpu.memory_space<vmem>>, %arg5: memref<1024x1024xbf16, #tpu.memory_space<vmem>>, %arg6: memref<1024x1024xf32, #tpu.memory_space<vmem>>, %arg7: memref<2x1024xf32, #tpu.memory_space<vmem>>) attributes {dimension_semantics = [#tpu.dimension_semantics<arbitrary>], iteration_bounds = array<i64: 16>, scalar_prefetch = 0 : i64, scratch_operands = 0 : i64, tpu.core_type = #tpu.core_type<tc>, window_params = [{transform_indices = @transform_0, window_bounds = array<i64: 1024, 1024>}, {pipeline_mode = #tpu.pipeline_mode<synchronous>, transform_indices = @transform_1, window_bounds = array<i64: 2, 1024>}, {pipeline_mode = #tpu.pipeline_mode<synchronous>, transform_indices = @transform_2, window_bounds = array<i64: 1024>}, {pipeline_mode = #tpu.pipeline_mode<synchronous>, transform_indices = @transform_3, window_bounds = array<i64: 1024>}, {pipeline_mode = #tpu.pipeline_mode<synchronous>, transform_indices = @transform_4, window_bounds = array<i64: 1024, 1024>}, {transform_indices = @transform_5, window_bounds = array<i64: 1024, 1024>}, {pipeline_mode = #tpu.pipeline_mode<synchronous>, transform_indices = @transform_6, window_bounds = array<i64: 2, 1024>}]} {
    %get3A = arith.constant 0 : index
    %get3A_0 = arith.constant 0 : index
    %get3A_1 = vector.load %arg1[%get3A, %get3A_0] : memref<1024x1024xf32, #tpu.memory_space<vmem>>, vector<1024x1024xf32>
    %get3A_2 = arith.constant 0 : index
    %get3A_3 = arith.constant 0 : index
    %get3A_4 = vector.load %arg2[%get3A_2, %get3A_3] : memref<2x1024xf32, #tpu.memory_space<vmem>>, vector<2x1024xf32>
    %slice3A = vector.extract_strided_slice %get3A_4 {offsets = [0, 0], sizes = [1, 1024], strides = [1, 1]} : vector<2x1024xf32> to vector<1x1024xf32>
    %squeeze3A = vector.shape_cast %slice3A : vector<1x1024xf32> to vector<1024xf32>
    %mul3A = arith.constant 6.10351563E-5 : f32
    %mul3A_5 = vector.broadcast %mul3A : f32 to vector<1024xf32>
    %mul3A_6 = arith.mulf %squeeze3A, %mul3A_5 : vector<1024xf32>
    %slice3A_7 = vector.extract_strided_slice %get3A_4 {offsets = [1, 0], sizes = [1, 1024], strides = [1, 1]} : vector<2x1024xf32> to vector<1x1024xf32>
    %squeeze3A_8 = vector.shape_cast %slice3A_7 : vector<1x1024xf32> to vector<1024xf32>
    %mul3A_9 = arith.constant 6.10351563E-5 : f32
    %mul3A_10 = vector.broadcast %mul3A_9 : f32 to vector<1024xf32>
    %mul3A_11 = arith.mulf %squeeze3A_8, %mul3A_10 : vector<1024xf32>
    %mul3A_12 = arith.mulf %mul3A_6, %mul3A_6 : vector<1024xf32>
    %sub3A = arith.subf %mul3A_11, %mul3A_12 : vector<1024xf32>
    %get3A_13 = arith.constant 0 : index
    %get3A_14 = vector.load %arg3[%get3A_13] : memref<1024xf32, #tpu.memory_space<vmem>>, vector<1024xf32>
    %add3A = arith.constant 9.99999974E-6 : f32
    %add3A_15 = vector.broadcast %add3A : f32 to vector<1024xf32>
    %add3A_16 = arith.addf %sub3A, %add3A_15 : vector<1024xf32>
    %rsqrt3A = math.rsqrt %add3A_16 : vector<1024xf32>
    %mul3A_17 = arith.mulf %get3A_14, %rsqrt3A : vector<1024xf32>
    %get3A_18 = arith.constant 0 : index
    %get3A_19 = vector.load %arg4[%get3A_18] : memref<1024xf32, #tpu.memory_space<vmem>>, vector<1024xf32>
    %mul3A_20 = arith.mulf %mul3A_6, %mul3A_17 : vector<1024xf32>
    %sub3A_21 = arith.subf %get3A_19, %mul3A_20 : vector<1024xf32>
    %broadcast_in_dim3A = vector.shape_cast %mul3A_17 : vector<1024xf32> to vector<1x1024xf32>
    %mul3A_22 = vector.broadcast %broadcast_in_dim3A : vector<1x1024xf32> to vector<1024x1024xf32>
    %mul3A_23 = arith.mulf %get3A_1, %mul3A_22 : vector<1024x1024xf32>
    %broadcast_in_dim3A_24 = vector.shape_cast %sub3A_21 : vector<1024xf32> to vector<1x1024xf32>
    %add3A_25 = vector.broadcast %broadcast_in_dim3A_24 : vector<1x1024xf32> to vector<1024x1024xf32>
    %add3A_26 = arith.addf %mul3A_23, %add3A_25 : vector<1024x1024xf32>
    %max3A = arith.constant 0.000000e+00 : f32
    %max3A_27 = vector.broadcast %max3A : f32 to vector<1024x1024xf32>
    %max3A_28 = arith.maximumf %add3A_26, %max3A_27 : vector<1024x1024xf32>
    %get3A_29 = arith.constant 0 : index
    %get3A_30 = arith.constant 0 : index
    %get3A_31 = vector.load %arg5[%get3A_29, %get3A_30] : memref<1024x1024xbf16, #tpu.memory_space<vmem>>, vector<1024x1024xbf16>
    %convert_element_type3A = arith.truncf %max3A_28 : vector<1024x1024xf32> to vector<1024x1024xbf16>
    %dot_general3A = arith.constant dense<0.000000e+00> : vector<1024x1024xf32>
    %dot_general3A_32 = tpu.matmul %convert_element_type3A, %get3A_31, %dot_general3A {dimension_numbers = #tpu.dot_dimension_numbers<[1], [0], [0], [1], [0, 0, 1, 1], [], []>, transpose_lhs_hint = false} : vector<1024x1024xbf16>, vector<1024x1024xbf16>, vector<1024x1024xf32> -> vector<1024x1024xf32>
    %swap3A = arith.constant 0 : index
    %swap3A_33 = arith.constant 0 : index
    %swap3A_34 = vector.load %arg6[%swap3A, %swap3A_33] : memref<1024x1024xf32, #tpu.memory_space<vmem>>, vector<1024x1024xf32>
    tpu.vector_store %arg6[%swap3A, %swap3A_33], %dot_general3A_32 {strides = array<i32>} : memref<1024x1024xf32, #tpu.memory_space<vmem>>, vector<1024x1024xf32>,
    %reduce_sum3A = arith.constant dense<0.000000e+00> : vector<1024xf32>
    %reduce_sum3A_35 = vector.multi_reduction <add>, %dot_general3A_32, %reduce_sum3A [0] : vector<1024x1024xf32> to vector<1024xf32>
    %broadcast_in_dim3A_36 = vector.shape_cast %reduce_sum3A_35 : vector<1024xf32> to vector<1x1024xf32>
    %mul3A_37 = arith.mulf %dot_general3A_32, %dot_general3A_32 : vector<1024x1024xf32>
    %reduce_sum3A_38 = arith.constant dense<0.000000e+00> : vector<1024xf32>
    %reduce_sum3A_39 = vector.multi_reduction <add>, %mul3A_37, %reduce_sum3A_38 [0] : vector<1024x1024xf32> to vector<1024xf32>
    %broadcast_in_dim3A_40 = vector.shape_cast %reduce_sum3A_39 : vector<1024xf32> to vector<1x1024xf32>
    %concatenate3A = tpu.concatenate %broadcast_in_dim3A_36, %broadcast_in_dim3A_40 in 0 : vector<1x1024xf32>, vector<1x1024xf32> -> vector<2x1024xf32>
    %eq3A = arith.constant 0 : i32
    %eq3A_41 = arith.cmpi eq, %arg0, %eq3A : i32
    %convert_element_type3A_42 = arith.extui %eq3A_41 : i1 to i32
    %cond3A = arith.constant 0 : i32
    %cond3A_43 = arith.cmpi ne, %convert_element_type3A_42, %cond3A : i32
    scf.if %cond3A_43 {
      %swap3A_48 = arith.constant 0 : index
      %swap3A_49 = arith.constant 0 : index
      %swap3A_50 = vector.load %arg7[%swap3A_48, %swap3A_49] : memref<2x1024xf32, #tpu.memory_space<vmem>>, vector<2x1024xf32>
      tpu.vector_store %arg7[%swap3A_48, %swap3A_49], %concatenate3A {strides = array<i32>} : memref<2x1024xf32, #tpu.memory_space<vmem>>, vector<2x1024xf32>,
    } else {
    }
    %gt3A = arith.constant 0 : i32
    %gt3A_44 = arith.cmpi sgt, %arg0, %gt3A : i32
    %convert_element_type3A_45 = arith.extui %gt3A_44 : i1 to i32
    %cond3A_46 = arith.constant 0 : i32
    %cond3A_47 = arith.cmpi ne, %convert_element_type3A_45, %cond3A_46 : i32
    scf.if %cond3A_47 {
      %get3A_48 = arith.constant 0 : index
      %get3A_49 = arith.constant 0 : index
      %get3A_50 = vector.load %arg7[%get3A_48, %get3A_49] : memref<2x1024xf32, #tpu.memory_space<vmem>>, vector<2x1024xf32>
      %add3A_51 = arith.addf %get3A_50, %concatenate3A : vector<2x1024xf32>
      %swap3A_52 = arith.constant 0 : index
      %swap3A_53 = arith.constant 0 : index
      %swap3A_54 = vector.load %arg7[%swap3A_52, %swap3A_53] : memref<2x1024xf32, #tpu.memory_space<vmem>>, vector<2x1024xf32>
      tpu.vector_store %arg7[%swap3A_52, %swap3A_53], %add3A_51 {strides = array<i32>} : memref<2x1024xf32, #tpu.memory_space<vmem>>, vector<2x1024xf32>,
    } else {
    }
    return
  }
  func.func @transform_0(%arg0: i32) -> (i32, i32) {
    %c0_i32 = arith.constant 0 : i32
    %c0_i32_0 = arith.constant 0 : i32
    return %arg0, %c0_i32 : i32, i32
  }
  func.func @transform_1(%arg0: i32) -> (i32, i32) {
    %c0_i32 = arith.constant 0 : i32
    %c0_i32_0 = arith.constant 0 : i32
    %c0_i32_1 = arith.constant 0 : i32
    return %c0_i32, %c0_i32_0 : i32, i32
  }
  func.func @transform_2(%arg0: i32) -> i32 {
    %c0_i32 = arith.constant 0 : i32
    %c0_i32_0 = arith.constant 0 : i32
    return %c0_i32 : i32
  }
  func.func @transform_3(%arg0: i32) -> i32 {
    %c0_i32 = arith.constant 0 : i32
    %c0_i32_0 = arith.constant 0 : i32
    return %c0_i32 : i32
  }
  func.func @transform_4(%arg0: i32) -> (i32, i32) {
    %c0_i32 = arith.constant 0 : i32
    %c0_i32_0 = arith.constant 0 : i32
    %c0_i32_1 = arith.constant 0 : i32
    return %c0_i32, %c0_i32_0 : i32, i32
  }
  func.func @transform_5(%arg0: i32) -> (i32, i32) {
    %c0_i32 = arith.constant 0 : i32
    %c0_i32_0 = arith.constant 0 : i32
    return %arg0, %c0_i32 : i32, i32
  }
  func.func @transform_6(%arg0: i32) -> (i32, i32) {
    %c0_i32 = arith.constant 0 : i32
    %c0_i32_0 = arith.constant 0 : i32
    %c0_i32_1 = arith.constant 0 : i32
    return %c0_i32, %c0_i32_0 : i32, i32
  }
}

module attributes {stable_mosaic.version = 14 : i64} {
  func.func @body(%arg0: i32, %arg1: memref<1024x1024xf32, #tpu.memory_space<vmem>>, %arg2: memref<2x1024xf32, #tpu.memory_space<vmem>>, %arg3: memref<1024xf32, #tpu.memory_space<vmem>>, %arg4: memref<1024xf32, #tpu.memory_space<vmem>>, %arg5: memref<1024x512xbf16, #tpu.memory_space<vmem>>, %arg6: memref<1024x512xf32, #tpu.memory_space<vmem>>, %arg7: memref<2x512xf32, #tpu.memory_space<vmem>>) attributes {dimension_semantics = [#tpu.dimension_semantics<arbitrary>], iteration_bounds = array<i64: 16>, scalar_prefetch = 0 : i64, scratch_operands = 0 : i64, tpu.core_type = #tpu.core_type<tc>, window_params = [{transform_indices = @transform_0, window_bounds = array<i64: 1024, 1024>}, {pipeline_mode = #tpu.pipeline_mode<synchronous>, transform_indices = @transform_1, window_bounds = array<i64: 2, 1024>}, {pipeline_mode = #tpu.pipeline_mode<synchronous>, transform_indices = @transform_2, window_bounds = array<i64: 1024>}, {pipeline_mode = #tpu.pipeline_mode<synchronous>, transform_indices = @transform_3, window_bounds = array<i64: 1024>}, {pipeline_mode = #tpu.pipeline_mode<synchronous>, transform_indices = @transform_4, window_bounds = array<i64: 1024, 512>}, {transform_indices = @transform_5, window_bounds = array<i64: 1024, 512>}, {pipeline_mode = #tpu.pipeline_mode<synchronous>, transform_indices = @transform_6, window_bounds = array<i64: 2, 512>}]} {
    %get3A = arith.constant 0 : index
    %get3A_0 = arith.constant 0 : index
    %get3A_1 = vector.load %arg1[%get3A, %get3A_0] : memref<1024x1024xf32, #tpu.memory_space<vmem>>, vector<1024x1024xf32>
    %get3A_2 = arith.constant 0 : index
    %get3A_3 = arith.constant 0 : index
    %get3A_4 = vector.load %arg2[%get3A_2, %get3A_3] : memref<2x1024xf32, #tpu.memory_space<vmem>>, vector<2x1024xf32>
    %slice3A = vector.extract_strided_slice %get3A_4 {offsets = [0, 0], sizes = [1, 1024], strides = [1, 1]} : vector<2x1024xf32> to vector<1x1024xf32>
    %squeeze3A = vector.shape_cast %slice3A : vector<1x1024xf32> to vector<1024xf32>
    %mul3A = arith.constant 6.10351563E-5 : f32
    %mul3A_5 = vector.broadcast %mul3A : f32 to vector<1024xf32>
    %mul3A_6 = arith.mulf %squeeze3A, %mul3A_5 : vector<1024xf32>
    %slice3A_7 = vector.extract_strided_slice %get3A_4 {offsets = [1, 0], sizes = [1, 1024], strides = [1, 1]} : vector<2x1024xf32> to vector<1x1024xf32>
    %squeeze3A_8 = vector.shape_cast %slice3A_7 : vector<1x1024xf32> to vector<1024xf32>
    %mul3A_9 = arith.constant 6.10351563E-5 : f32
    %mul3A_10 = vector.broadcast %mul3A_9 : f32 to vector<1024xf32>
    %mul3A_11 = arith.mulf %squeeze3A_8, %mul3A_10 : vector<1024xf32>
    %mul3A_12 = arith.mulf %mul3A_6, %mul3A_6 : vector<1024xf32>
    %sub3A = arith.subf %mul3A_11, %mul3A_12 : vector<1024xf32>
    %get3A_13 = arith.constant 0 : index
    %get3A_14 = vector.load %arg3[%get3A_13] : memref<1024xf32, #tpu.memory_space<vmem>>, vector<1024xf32>
    %add3A = arith.constant 9.99999974E-6 : f32
    %add3A_15 = vector.broadcast %add3A : f32 to vector<1024xf32>
    %add3A_16 = arith.addf %sub3A, %add3A_15 : vector<1024xf32>
    %rsqrt3A = math.rsqrt %add3A_16 : vector<1024xf32>
    %mul3A_17 = arith.mulf %get3A_14, %rsqrt3A : vector<1024xf32>
    %get3A_18 = arith.constant 0 : index
    %get3A_19 = vector.load %arg4[%get3A_18] : memref<1024xf32, #tpu.memory_space<vmem>>, vector<1024xf32>
    %mul3A_20 = arith.mulf %mul3A_6, %mul3A_17 : vector<1024xf32>
    %sub3A_21 = arith.subf %get3A_19, %mul3A_20 : vector<1024xf32>
    %broadcast_in_dim3A = vector.shape_cast %mul3A_17 : vector<1024xf32> to vector<1x1024xf32>
    %mul3A_22 = vector.broadcast %broadcast_in_dim3A : vector<1x1024xf32> to vector<1024x1024xf32>
    %mul3A_23 = arith.mulf %get3A_1, %mul3A_22 : vector<1024x1024xf32>
    %broadcast_in_dim3A_24 = vector.shape_cast %sub3A_21 : vector<1024xf32> to vector<1x1024xf32>
    %add3A_25 = vector.broadcast %broadcast_in_dim3A_24 : vector<1x1024xf32> to vector<1024x1024xf32>
    %add3A_26 = arith.addf %mul3A_23, %add3A_25 : vector<1024x1024xf32>
    %max3A = arith.constant 0.000000e+00 : f32
    %max3A_27 = vector.broadcast %max3A : f32 to vector<1024x1024xf32>
    %max3A_28 = arith.maximumf %add3A_26, %max3A_27 : vector<1024x1024xf32>
    %get3A_29 = arith.constant 0 : index
    %get3A_30 = arith.constant 0 : index
    %get3A_31 = vector.load %arg5[%get3A_29, %get3A_30] : memref<1024x512xbf16, #tpu.memory_space<vmem>>, vector<1024x512xbf16>
    %convert_element_type3A = arith.truncf %max3A_28 : vector<1024x1024xf32> to vector<1024x1024xbf16>
    %dot_general3A = arith.constant dense<0.000000e+00> : vector<1024x512xf32>
    %dot_general3A_32 = tpu.matmul %convert_element_type3A, %get3A_31, %dot_general3A {dimension_numbers = #tpu.dot_dimension_numbers<[1], [0], [0], [1], [0, 0, 1, 1], [], []>, transpose_lhs_hint = false} : vector<1024x1024xbf16>, vector<1024x512xbf16>, vector<1024x512xf32> -> vector<1024x512xf32>
    %swap3A = arith.constant 0 : index
    %swap3A_33 = arith.constant 0 : index
    %swap3A_34 = vector.load %arg6[%swap3A, %swap3A_33] : memref<1024x512xf32, #tpu.memory_space<vmem>>, vector<1024x512xf32>
    tpu.vector_store %arg6[%swap3A, %swap3A_33], %dot_general3A_32 {strides = array<i32>} : memref<1024x512xf32, #tpu.memory_space<vmem>>, vector<1024x512xf32>,
    %reduce_sum3A = arith.constant dense<0.000000e+00> : vector<512xf32>
    %reduce_sum3A_35 = vector.multi_reduction <add>, %dot_general3A_32, %reduce_sum3A [0] : vector<1024x512xf32> to vector<512xf32>
    %broadcast_in_dim3A_36 = vector.shape_cast %reduce_sum3A_35 : vector<512xf32> to vector<1x512xf32>
    %mul3A_37 = arith.mulf %dot_general3A_32, %dot_general3A_32 : vector<1024x512xf32>
    %reduce_sum3A_38 = arith.constant dense<0.000000e+00> : vector<512xf32>
    %reduce_sum3A_39 = vector.multi_reduction <add>, %mul3A_37, %reduce_sum3A_38 [0] : vector<1024x512xf32> to vector<512xf32>
    %broadcast_in_dim3A_40 = vector.shape_cast %reduce_sum3A_39 : vector<512xf32> to vector<1x512xf32>
    %concatenate3A = tpu.concatenate %broadcast_in_dim3A_36, %broadcast_in_dim3A_40 in 0 : vector<1x512xf32>, vector<1x512xf32> -> vector<2x512xf32>
    %eq3A = arith.constant 0 : i32
    %eq3A_41 = arith.cmpi eq, %arg0, %eq3A : i32
    %convert_element_type3A_42 = arith.extui %eq3A_41 : i1 to i32
    %cond3A = arith.constant 0 : i32
    %cond3A_43 = arith.cmpi ne, %convert_element_type3A_42, %cond3A : i32
    scf.if %cond3A_43 {
      %swap3A_48 = arith.constant 0 : index
      %swap3A_49 = arith.constant 0 : index
      %swap3A_50 = vector.load %arg7[%swap3A_48, %swap3A_49] : memref<2x512xf32, #tpu.memory_space<vmem>>, vector<2x512xf32>
      tpu.vector_store %arg7[%swap3A_48, %swap3A_49], %concatenate3A {strides = array<i32>} : memref<2x512xf32, #tpu.memory_space<vmem>>, vector<2x512xf32>,
    } else {
    }
    %gt3A = arith.constant 0 : i32
    %gt3A_44 = arith.cmpi sgt, %arg0, %gt3A : i32
    %convert_element_type3A_45 = arith.extui %gt3A_44 : i1 to i32
    %cond3A_46 = arith.constant 0 : i32
    %cond3A_47 = arith.cmpi ne, %convert_element_type3A_45, %cond3A_46 : i32
    scf.if %cond3A_47 {
      %get3A_48 = arith.constant 0 : index
      %get3A_49 = arith.constant 0 : index
      %get3A_50 = vector.load %arg7[%get3A_48, %get3A_49] : memref<2x512xf32, #tpu.memory_space<vmem>>, vector<2x512xf32>
      %add3A_51 = arith.addf %get3A_50, %concatenate3A : vector<2x512xf32>
      %swap3A_52 = arith.constant 0 : index
      %swap3A_53 = arith.constant 0 : index
      %swap3A_54 = vector.load %arg7[%swap3A_52, %swap3A_53] : memref<2x512xf32, #tpu.memory_space<vmem>>, vector<2x512xf32>
      tpu.vector_store %arg7[%swap3A_52, %swap3A_53], %add3A_51 {strides = array<i32>} : memref<2x512xf32, #tpu.memory_space<vmem>>, vector<2x512xf32>,
    } else {
    }
    return
  }
  func.func @transform_0(%arg0: i32) -> (i32, i32) {
    %c0_i32 = arith.constant 0 : i32
    %c0_i32_0 = arith.constant 0 : i32
    return %arg0, %c0_i32 : i32, i32
  }
  func.func @transform_1(%arg0: i32) -> (i32, i32) {
    %c0_i32 = arith.constant 0 : i32
    %c0_i32_0 = arith.constant 0 : i32
    %c0_i32_1 = arith.constant 0 : i32
    return %c0_i32, %c0_i32_0 : i32, i32
  }
  func.func @transform_2(%arg0: i32) -> i32 {
    %c0_i32 = arith.constant 0 : i32
    %c0_i32_0 = arith.constant 0 : i32
    return %c0_i32 : i32
  }
  func.func @transform_3(%arg0: i32) -> i32 {
    %c0_i32 = arith.constant 0 : i32
    %c0_i32_0 = arith.constant 0 : i32
    return %c0_i32 : i32
  }
  func.func @transform_4(%arg0: i32) -> (i32, i32) {
    %c0_i32 = arith.constant 0 : i32
    %c0_i32_0 = arith.constant 0 : i32
    %c0_i32_1 = arith.constant 0 : i32
    return %c0_i32, %c0_i32_0 : i32, i32
  }
  func.func @transform_5(%arg0: i32) -> (i32, i32) {
    %c0_i32 = arith.constant 0 : i32
    %c0_i32_0 = arith.constant 0 : i32
    return %arg0, %c0_i32 : i32, i32
  }
  func.func @transform_6(%arg0: i32) -> (i32, i32) {
    %c0_i32 = arith.constant 0 : i32
    %c0_i32_0 = arith.constant 0 : i32
    %c0_i32_1 = arith.constant 0 : i32
    return %c0_i32, %c0_i32_0 : i32, i32
  }
}

module attributes {stable_mosaic.version = 14 : i64} {
  func.func @body(%arg0: i32, %arg1: memref<1024x512xf32, #tpu.memory_space<vmem>>, %arg2: memref<2x512xf32, #tpu.memory_space<vmem>>, %arg3: memref<512xf32, #tpu.memory_space<vmem>>, %arg4: memref<512xf32, #tpu.memory_space<vmem>>, %arg5: memref<512x256xbf16, #tpu.memory_space<vmem>>, %arg6: memref<1024x256xf32, #tpu.memory_space<vmem>>, %arg7: memref<2x256xf32, #tpu.memory_space<vmem>>) attributes {dimension_semantics = [#tpu.dimension_semantics<arbitrary>], iteration_bounds = array<i64: 16>, scalar_prefetch = 0 : i64, scratch_operands = 0 : i64, tpu.core_type = #tpu.core_type<tc>, window_params = [{transform_indices = @transform_0, window_bounds = array<i64: 1024, 512>}, {pipeline_mode = #tpu.pipeline_mode<synchronous>, transform_indices = @transform_1, window_bounds = array<i64: 2, 512>}, {pipeline_mode = #tpu.pipeline_mode<synchronous>, transform_indices = @transform_2, window_bounds = array<i64: 512>}, {pipeline_mode = #tpu.pipeline_mode<synchronous>, transform_indices = @transform_3, window_bounds = array<i64: 512>}, {pipeline_mode = #tpu.pipeline_mode<synchronous>, transform_indices = @transform_4, window_bounds = array<i64: 512, 256>}, {transform_indices = @transform_5, window_bounds = array<i64: 1024, 256>}, {pipeline_mode = #tpu.pipeline_mode<synchronous>, transform_indices = @transform_6, window_bounds = array<i64: 2, 256>}]} {
    %get3A = arith.constant 0 : index
    %get3A_0 = arith.constant 0 : index
    %get3A_1 = vector.load %arg1[%get3A, %get3A_0] : memref<1024x512xf32, #tpu.memory_space<vmem>>, vector<1024x512xf32>
    %get3A_2 = arith.constant 0 : index
    %get3A_3 = arith.constant 0 : index
    %get3A_4 = vector.load %arg2[%get3A_2, %get3A_3] : memref<2x512xf32, #tpu.memory_space<vmem>>, vector<2x512xf32>
    %slice3A = vector.extract_strided_slice %get3A_4 {offsets = [0, 0], sizes = [1, 512], strides = [1, 1]} : vector<2x512xf32> to vector<1x512xf32>
    %squeeze3A = vector.shape_cast %slice3A : vector<1x512xf32> to vector<512xf32>
    %mul3A = arith.constant 6.10351563E-5 : f32
    %mul3A_5 = vector.broadcast %mul3A : f32 to vector<512xf32>
    %mul3A_6 = arith.mulf %squeeze3A, %mul3A_5 : vector<512xf32>
    %slice3A_7 = vector.extract_strided_slice %get3A_4 {offsets = [1, 0], sizes = [1, 512], strides = [1, 1]} : vector<2x512xf32> to vector<1x512xf32>
    %squeeze3A_8 = vector.shape_cast %slice3A_7 : vector<1x512xf32> to vector<512xf32>
    %mul3A_9 = arith.constant 6.10351563E-5 : f32
    %mul3A_10 = vector.broadcast %mul3A_9 : f32 to vector<512xf32>
    %mul3A_11 = arith.mulf %squeeze3A_8, %mul3A_10 : vector<512xf32>
    %mul3A_12 = arith.mulf %mul3A_6, %mul3A_6 : vector<512xf32>
    %sub3A = arith.subf %mul3A_11, %mul3A_12 : vector<512xf32>
    %get3A_13 = arith.constant 0 : index
    %get3A_14 = vector.load %arg3[%get3A_13] : memref<512xf32, #tpu.memory_space<vmem>>, vector<512xf32>
    %add3A = arith.constant 9.99999974E-6 : f32
    %add3A_15 = vector.broadcast %add3A : f32 to vector<512xf32>
    %add3A_16 = arith.addf %sub3A, %add3A_15 : vector<512xf32>
    %rsqrt3A = math.rsqrt %add3A_16 : vector<512xf32>
    %mul3A_17 = arith.mulf %get3A_14, %rsqrt3A : vector<512xf32>
    %get3A_18 = arith.constant 0 : index
    %get3A_19 = vector.load %arg4[%get3A_18] : memref<512xf32, #tpu.memory_space<vmem>>, vector<512xf32>
    %mul3A_20 = arith.mulf %mul3A_6, %mul3A_17 : vector<512xf32>
    %sub3A_21 = arith.subf %get3A_19, %mul3A_20 : vector<512xf32>
    %broadcast_in_dim3A = vector.shape_cast %mul3A_17 : vector<512xf32> to vector<1x512xf32>
    %mul3A_22 = vector.broadcast %broadcast_in_dim3A : vector<1x512xf32> to vector<1024x512xf32>
    %mul3A_23 = arith.mulf %get3A_1, %mul3A_22 : vector<1024x512xf32>
    %broadcast_in_dim3A_24 = vector.shape_cast %sub3A_21 : vector<512xf32> to vector<1x512xf32>
    %add3A_25 = vector.broadcast %broadcast_in_dim3A_24 : vector<1x512xf32> to vector<1024x512xf32>
    %add3A_26 = arith.addf %mul3A_23, %add3A_25 : vector<1024x512xf32>
    %max3A = arith.constant 0.000000e+00 : f32
    %max3A_27 = vector.broadcast %max3A : f32 to vector<1024x512xf32>
    %max3A_28 = arith.maximumf %add3A_26, %max3A_27 : vector<1024x512xf32>
    %get3A_29 = arith.constant 0 : index
    %get3A_30 = arith.constant 0 : index
    %get3A_31 = vector.load %arg5[%get3A_29, %get3A_30] : memref<512x256xbf16, #tpu.memory_space<vmem>>, vector<512x256xbf16>
    %convert_element_type3A = arith.truncf %max3A_28 : vector<1024x512xf32> to vector<1024x512xbf16>
    %dot_general3A = arith.constant dense<0.000000e+00> : vector<1024x256xf32>
    %dot_general3A_32 = tpu.matmul %convert_element_type3A, %get3A_31, %dot_general3A {dimension_numbers = #tpu.dot_dimension_numbers<[1], [0], [0], [1], [0, 0, 1, 1], [], []>, transpose_lhs_hint = false} : vector<1024x512xbf16>, vector<512x256xbf16>, vector<1024x256xf32> -> vector<1024x256xf32>
    %swap3A = arith.constant 0 : index
    %swap3A_33 = arith.constant 0 : index
    %swap3A_34 = vector.load %arg6[%swap3A, %swap3A_33] : memref<1024x256xf32, #tpu.memory_space<vmem>>, vector<1024x256xf32>
    tpu.vector_store %arg6[%swap3A, %swap3A_33], %dot_general3A_32 {strides = array<i32>} : memref<1024x256xf32, #tpu.memory_space<vmem>>, vector<1024x256xf32>,
    %reduce_sum3A = arith.constant dense<0.000000e+00> : vector<256xf32>
    %reduce_sum3A_35 = vector.multi_reduction <add>, %dot_general3A_32, %reduce_sum3A [0] : vector<1024x256xf32> to vector<256xf32>
    %broadcast_in_dim3A_36 = vector.shape_cast %reduce_sum3A_35 : vector<256xf32> to vector<1x256xf32>
    %mul3A_37 = arith.mulf %dot_general3A_32, %dot_general3A_32 : vector<1024x256xf32>
    %reduce_sum3A_38 = arith.constant dense<0.000000e+00> : vector<256xf32>
    %reduce_sum3A_39 = vector.multi_reduction <add>, %mul3A_37, %reduce_sum3A_38 [0] : vector<1024x256xf32> to vector<256xf32>
    %broadcast_in_dim3A_40 = vector.shape_cast %reduce_sum3A_39 : vector<256xf32> to vector<1x256xf32>
    %concatenate3A = tpu.concatenate %broadcast_in_dim3A_36, %broadcast_in_dim3A_40 in 0 : vector<1x256xf32>, vector<1x256xf32> -> vector<2x256xf32>
    %eq3A = arith.constant 0 : i32
    %eq3A_41 = arith.cmpi eq, %arg0, %eq3A : i32
    %convert_element_type3A_42 = arith.extui %eq3A_41 : i1 to i32
    %cond3A = arith.constant 0 : i32
    %cond3A_43 = arith.cmpi ne, %convert_element_type3A_42, %cond3A : i32
    scf.if %cond3A_43 {
      %swap3A_48 = arith.constant 0 : index
      %swap3A_49 = arith.constant 0 : index
      %swap3A_50 = vector.load %arg7[%swap3A_48, %swap3A_49] : memref<2x256xf32, #tpu.memory_space<vmem>>, vector<2x256xf32>
      tpu.vector_store %arg7[%swap3A_48, %swap3A_49], %concatenate3A {strides = array<i32>} : memref<2x256xf32, #tpu.memory_space<vmem>>, vector<2x256xf32>,
    } else {
    }
    %gt3A = arith.constant 0 : i32
    %gt3A_44 = arith.cmpi sgt, %arg0, %gt3A : i32
    %convert_element_type3A_45 = arith.extui %gt3A_44 : i1 to i32
    %cond3A_46 = arith.constant 0 : i32
    %cond3A_47 = arith.cmpi ne, %convert_element_type3A_45, %cond3A_46 : i32
    scf.if %cond3A_47 {
      %get3A_48 = arith.constant 0 : index
      %get3A_49 = arith.constant 0 : index
      %get3A_50 = vector.load %arg7[%get3A_48, %get3A_49] : memref<2x256xf32, #tpu.memory_space<vmem>>, vector<2x256xf32>
      %add3A_51 = arith.addf %get3A_50, %concatenate3A : vector<2x256xf32>
      %swap3A_52 = arith.constant 0 : index
      %swap3A_53 = arith.constant 0 : index
      %swap3A_54 = vector.load %arg7[%swap3A_52, %swap3A_53] : memref<2x256xf32, #tpu.memory_space<vmem>>, vector<2x256xf32>
      tpu.vector_store %arg7[%swap3A_52, %swap3A_53], %add3A_51 {strides = array<i32>} : memref<2x256xf32, #tpu.memory_space<vmem>>, vector<2x256xf32>,
    } else {
    }
    return
  }
  func.func @transform_0(%arg0: i32) -> (i32, i32) {
    %c0_i32 = arith.constant 0 : i32
    %c0_i32_0 = arith.constant 0 : i32
    return %arg0, %c0_i32 : i32, i32
  }
  func.func @transform_1(%arg0: i32) -> (i32, i32) {
    %c0_i32 = arith.constant 0 : i32
    %c0_i32_0 = arith.constant 0 : i32
    %c0_i32_1 = arith.constant 0 : i32
    return %c0_i32, %c0_i32_0 : i32, i32
  }
  func.func @transform_2(%arg0: i32) -> i32 {
    %c0_i32 = arith.constant 0 : i32
    %c0_i32_0 = arith.constant 0 : i32
    return %c0_i32 : i32
  }
  func.func @transform_3(%arg0: i32) -> i32 {
    %c0_i32 = arith.constant 0 : i32
    %c0_i32_0 = arith.constant 0 : i32
    return %c0_i32 : i32
  }
  func.func @transform_4(%arg0: i32) -> (i32, i32) {
    %c0_i32 = arith.constant 0 : i32
    %c0_i32_0 = arith.constant 0 : i32
    %c0_i32_1 = arith.constant 0 : i32
    return %c0_i32, %c0_i32_0 : i32, i32
  }
  func.func @transform_5(%arg0: i32) -> (i32, i32) {
    %c0_i32 = arith.constant 0 : i32
    %c0_i32_0 = arith.constant 0 : i32
    return %arg0, %c0_i32 : i32, i32
  }
  func.func @transform_6(%arg0: i32) -> (i32, i32) {
    %c0_i32 = arith.constant 0 : i32
    %c0_i32_0 = arith.constant 0 : i32
    %c0_i32_1 = arith.constant 0 : i32
    return %c0_i32, %c0_i32_0 : i32, i32
  }
}

module attributes {stable_mosaic.version = 14 : i64} {
  func.func @body(%arg0: i32, %arg1: memref<2048x256xf32, #tpu.memory_space<vmem>>, %arg2: memref<2x256xf32, #tpu.memory_space<vmem>>, %arg3: memref<256xf32, #tpu.memory_space<vmem>>, %arg4: memref<256xf32, #tpu.memory_space<vmem>>, %arg5: memref<256x1xbf16, #tpu.memory_space<vmem>>, %arg6: memref<1xf32, #tpu.memory_space<vmem>>, %arg7: memref<2048x1xf32, #tpu.memory_space<vmem>>) attributes {dimension_semantics = [#tpu.dimension_semantics<arbitrary>], iteration_bounds = array<i64: 8>, scalar_prefetch = 0 : i64, scratch_operands = 0 : i64, tpu.core_type = #tpu.core_type<tc>, window_params = [{transform_indices = @transform_0, window_bounds = array<i64: 2048, 256>}, {pipeline_mode = #tpu.pipeline_mode<synchronous>, transform_indices = @transform_1, window_bounds = array<i64: 2, 256>}, {pipeline_mode = #tpu.pipeline_mode<synchronous>, transform_indices = @transform_2, window_bounds = array<i64: 256>}, {pipeline_mode = #tpu.pipeline_mode<synchronous>, transform_indices = @transform_3, window_bounds = array<i64: 256>}, {pipeline_mode = #tpu.pipeline_mode<synchronous>, transform_indices = @transform_4, window_bounds = array<i64: 256, 1>}, {pipeline_mode = #tpu.pipeline_mode<synchronous>, transform_indices = @transform_5, window_bounds = array<i64: 1>}, {transform_indices = @transform_6, window_bounds = array<i64: 2048, 1>}]} {
    %get3A = arith.constant 0 : index
    %get3A_0 = arith.constant 0 : index
    %get3A_1 = vector.load %arg1[%get3A, %get3A_0] : memref<2048x256xf32, #tpu.memory_space<vmem>>, vector<2048x256xf32>
    %get3A_2 = arith.constant 0 : index
    %get3A_3 = arith.constant 0 : index
    %get3A_4 = vector.load %arg2[%get3A_2, %get3A_3] : memref<2x256xf32, #tpu.memory_space<vmem>>, vector<2x256xf32>
    %slice3A = vector.extract_strided_slice %get3A_4 {offsets = [0, 0], sizes = [1, 256], strides = [1, 1]} : vector<2x256xf32> to vector<1x256xf32>
    %squeeze3A = vector.shape_cast %slice3A : vector<1x256xf32> to vector<256xf32>
    %mul3A = arith.constant 6.10351563E-5 : f32
    %mul3A_5 = vector.broadcast %mul3A : f32 to vector<256xf32>
    %mul3A_6 = arith.mulf %squeeze3A, %mul3A_5 : vector<256xf32>
    %slice3A_7 = vector.extract_strided_slice %get3A_4 {offsets = [1, 0], sizes = [1, 256], strides = [1, 1]} : vector<2x256xf32> to vector<1x256xf32>
    %squeeze3A_8 = vector.shape_cast %slice3A_7 : vector<1x256xf32> to vector<256xf32>
    %mul3A_9 = arith.constant 6.10351563E-5 : f32
    %mul3A_10 = vector.broadcast %mul3A_9 : f32 to vector<256xf32>
    %mul3A_11 = arith.mulf %squeeze3A_8, %mul3A_10 : vector<256xf32>
    %mul3A_12 = arith.mulf %mul3A_6, %mul3A_6 : vector<256xf32>
    %sub3A = arith.subf %mul3A_11, %mul3A_12 : vector<256xf32>
    %get3A_13 = arith.constant 0 : index
    %get3A_14 = vector.load %arg3[%get3A_13] : memref<256xf32, #tpu.memory_space<vmem>>, vector<256xf32>
    %add3A = arith.constant 9.99999974E-6 : f32
    %add3A_15 = vector.broadcast %add3A : f32 to vector<256xf32>
    %add3A_16 = arith.addf %sub3A, %add3A_15 : vector<256xf32>
    %rsqrt3A = math.rsqrt %add3A_16 : vector<256xf32>
    %mul3A_17 = arith.mulf %get3A_14, %rsqrt3A : vector<256xf32>
    %get3A_18 = arith.constant 0 : index
    %get3A_19 = vector.load %arg4[%get3A_18] : memref<256xf32, #tpu.memory_space<vmem>>, vector<256xf32>
    %mul3A_20 = arith.mulf %mul3A_6, %mul3A_17 : vector<256xf32>
    %sub3A_21 = arith.subf %get3A_19, %mul3A_20 : vector<256xf32>
    %broadcast_in_dim3A = vector.shape_cast %mul3A_17 : vector<256xf32> to vector<1x256xf32>
    %mul3A_22 = vector.broadcast %broadcast_in_dim3A : vector<1x256xf32> to vector<2048x256xf32>
    %mul3A_23 = arith.mulf %get3A_1, %mul3A_22 : vector<2048x256xf32>
    %broadcast_in_dim3A_24 = vector.shape_cast %sub3A_21 : vector<256xf32> to vector<1x256xf32>
    %add3A_25 = vector.broadcast %broadcast_in_dim3A_24 : vector<1x256xf32> to vector<2048x256xf32>
    %add3A_26 = arith.addf %mul3A_23, %add3A_25 : vector<2048x256xf32>
    %max3A = arith.constant 0.000000e+00 : f32
    %max3A_27 = vector.broadcast %max3A : f32 to vector<2048x256xf32>
    %max3A_28 = arith.maximumf %add3A_26, %max3A_27 : vector<2048x256xf32>
    %get3A_29 = arith.constant 0 : index
    %get3A_30 = arith.constant 0 : index
    %get3A_31 = vector.load %arg5[%get3A_29, %get3A_30] : memref<256x1xbf16, #tpu.memory_space<vmem>>, vector<256x1xbf16>
    %convert_element_type3A = arith.truncf %max3A_28 : vector<2048x256xf32> to vector<2048x256xbf16>
    %dot_general3A = arith.constant dense<0.000000e+00> : vector<2048x1xf32>
    %dot_general3A_32 = tpu.matmul %convert_element_type3A, %get3A_31, %dot_general3A {dimension_numbers = #tpu.dot_dimension_numbers<[1], [0], [0], [1], [0, 0, 1, 1], [], []>, transpose_lhs_hint = false} : vector<2048x256xbf16>, vector<256x1xbf16>, vector<2048x1xf32> -> vector<2048x1xf32>
    %get3A_33 = arith.constant 0 : index
    %get3A_34 = vector.load %arg6[%get3A_33] : memref<1xf32, #tpu.memory_space<vmem>>, vector<1xf32>
    %broadcast_in_dim3A_35 = vector.shape_cast %get3A_34 : vector<1xf32> to vector<1x1xf32>
    %add3A_36 = vector.broadcast %broadcast_in_dim3A_35 : vector<1x1xf32> to vector<2048x1xf32>
    %add3A_37 = arith.addf %dot_general3A_32, %add3A_36 : vector<2048x1xf32>
    %swap3A = arith.constant 0 : index
    %swap3A_38 = arith.constant 0 : index
    %swap3A_39 = vector.load %arg7[%swap3A, %swap3A_38] : memref<2048x1xf32, #tpu.memory_space<vmem>>, vector<2048x1xf32>
    tpu.vector_store %arg7[%swap3A, %swap3A_38], %add3A_37 {strides = array<i32>} : memref<2048x1xf32, #tpu.memory_space<vmem>>, vector<2048x1xf32>,
    return
  }
  func.func @transform_0(%arg0: i32) -> (i32, i32) {
    %c0_i32 = arith.constant 0 : i32
    %c0_i32_0 = arith.constant 0 : i32
    return %arg0, %c0_i32 : i32, i32
  }
  func.func @transform_1(%arg0: i32) -> (i32, i32) {
    %c0_i32 = arith.constant 0 : i32
    %c0_i32_0 = arith.constant 0 : i32
    %c0_i32_1 = arith.constant 0 : i32
    return %c0_i32, %c0_i32_0 : i32, i32
  }
  func.func @transform_2(%arg0: i32) -> i32 {
    %c0_i32 = arith.constant 0 : i32
    %c0_i32_0 = arith.constant 0 : i32
    return %c0_i32 : i32
  }
  func.func @transform_3(%arg0: i32) -> i32 {
    %c0_i32 = arith.constant 0 : i32
    %c0_i32_0 = arith.constant 0 : i32
    return %c0_i32 : i32
  }
  func.func @transform_4(%arg0: i32) -> (i32, i32) {
    %c0_i32 = arith.constant 0 : i32
    %c0_i32_0 = arith.constant 0 : i32
    %c0_i32_1 = arith.constant 0 : i32
    return %c0_i32, %c0_i32_0 : i32, i32
  }
  func.func @transform_5(%arg0: i32) -> i32 {
    %c0_i32 = arith.constant 0 : i32
    %c0_i32_0 = arith.constant 0 : i32
    return %c0_i32 : i32
  }
  func.func @transform_6(%arg0: i32) -> (i32, i32) {
    %c0_i32 = arith.constant 0 : i32
    %c0_i32_0 = arith.constant 0 : i32
    return %arg0, %c0_i32 : i32, i32
  }
}

</mosaic_0001>

<sc_bundles>
// kernel: kernel.8.cloned.1.call-start
scs
__scs_entry_jumppad:
0x0: {  	(pc) =	sbr.rel $0x88, $3  }
0x1: {  	(tag) =	ssettag $0x0;
	lr =	simm.s32 $0x1  }
0x2: {  	[smem:$0x3F90] =	sst lr;
	_ =	strace $0xD0000000  }
0x3: {  	_ = 	snop  }
0x4: {  	_ = 	snop  }
0x5: {  	_ = 	snop  }
0x6: {  	_ = 	snop  }
0x7: {  	_ = 	snop  }
__scs_overlays_trampoline_lowered:
0x8: {  	[smem:$0x3F9F] =	sst s0  }
0x9: {  	[smem:$0x3FA0] =	sst s1  }
0xa: {  	[smem:$0x3FA1] =	sst s2  }
0xb: {  	[smem:$0x3FA2] =	sst s3  }
0xc: {  	[smem:$0x3FA3] =	sst s4  }
0xd: {  	[smem:$0x3FA4] =	sst s5  }
0xe: {  	[smem:$0x3FA5] =	sst s6  }
0xf: {  	[smem:$0x3FA6] =	sst s7  }
0x10: {  	[smem:$0x3FA7] =	sst s8  }
0x11: {  	[smem:$0x3FA8] =	sst s9;
	s0 =	simm.s32 @!p0 $0x0  }
0x12: {  	s1 =	sld [smem:$0x3F8E];
	s0 =	simm.s32 @p0 $0x1  }
0x13: {  	[smem:$0x3FA9] =	sst s0;
	s0 =	simm.s32 @!p1 $0x0  }
0x14: {  	s2 =	sld [smem:$0x3F8D];
	s0 =	simm.s32 @p1 $0x1  }
0x15: {  	[smem:$0x3FAA] =	sst s0;
	s0 =	simm.s32 @!p2 $0x0  }
0x16: {  	s3 =	sld [smem:$0x3FDB];
	s0 =	simm.s32 @p2 $0x1  }
0x17: {  	s4 =	simm.s32 $0x1BF5;
	[smem:$0x3FAC] =	sst s0  }
0x18: {  	s0 =	sld [smem:$0x3F8F];
	_ =	swait.ge [sflag:s4], $0x0  }
0x19: {  	s7 =	sld [smem:$0x3F90]  }
0x1a: {  	s8 =	sadd.s32 $0xFFFFE003, lr  }
0x1b: {  	s9 =	sadd.s32 $0xFFFFFEF7, lr;
	s5 =	simm.s32 $0xFFFFFFFF;
	p2 =	slt.u32 s8, $0xFFFFF086  }
0x1c: {  	p1 =	slt.u32 s9, $0xF7A;
	s5 =	simm.s32 @!p2 $0x0  }
0x1d: {  	s5 =	simm.s32 @p1 $0x1;
	p0 =	seq.s32 s7, s2  }
0x1e: {  	s7 =	smul.u32 @!p0 $0xF7A, s2;
	p2 =	seq.s32 @!p0 s5, $0x0  }
0x1f: {  	s9 =	smul.u32 $0xF7A, s1;
	s8 =	simm.s32 @!p0 $0x1BF5;
	p2 =	por !p2, p0  }
0x20: {  	[sflag:s8] =	ssyncset.s32 @!p0 $0xFFFFF086;
	s6 =	sadd.s32 @!p0 s3, s7;
	s7 =	simm.s32 @!p0 $0x108  }
0x21: {  	s3 =	sadd.s32 s3, s9;
	s6 =	sadd.s32 @!p0 $0x88, s6;
	s7 =	simm.s32 @p2 $0x1082  }
0x22: {  	[simem:s7], [sflag:s8] =	dma.local @!p0 [hbm:s6], $0xF7A  }
0x23: {  	s9 =	sor.u32 $0xD0000000, s2;
	s6 =	simm.s32 $0x108;
	_ =	swait.ge @!p0 [sflag:s8], $0x0  }
0x24: {  	s3 =	sadd.s32 $0x88, s3;
	s6 =	simm.s32 @!p1 $0x1082;
	[sflag:s4] =	ssyncset.s32 $0xFFFFF086  }
0x25: {  	[simem:s6], [sflag:s4] =	dma.local [hbm:s3], $0xF7A  }
0x26: {  	[smem:$0x3F90] =	sst s1;
	(tag) =	ssettag s2;
	_ =	strace s9  }
0x27: {  	s1 =	sld [smem:$0x3FA0]  }
0x28: {  	s2 =	sld [smem:$0x3FA1]  }
0x29: {  	s4 =	sld [smem:$0x3FA3]  }
0x2a: {  	p0 =	seq.s32 s5, $0x0;
	s5 =	sld [smem:$0x3FA4]  }
0x2b: {  	s6 =	sld [smem:$0x3FA5]  }
0x2c: {  	s7 =	sld [smem:$0x3FA6]  }
0x2d: {  	s3 =	simm.s32 $0x108;
	s8 =	sld [smem:$0x3FA7]  }
0x2e: {  	s3 =	simm.s32 @!p0 $0x1082;
	s9 =	sld [smem:$0x3FA8]  }
0x2f: {  	lr =	sadd.s32 s0, s3;
	s0 =	sld [smem:$0x3F9F]  }
0x30: {  	s3 =	sld [smem:$0x3FA2]  }
0x31: {  	[smem:$0x3FAB] =	sst s10  }
0x32: {  	s10 =	sld [smem:$0x3FA9];
	_ =	sdelay $0x3  }
0x33: {  	p0 =	seq.s32 s10, $0x1;
	s10 =	sld [smem:$0x3FAB];
	_ =	sdelay $0x3  }
0x34: {  	[smem:$0x3FAB] =	sst s10  }
0x35: {  	s10 =	sld [smem:$0x3FAA];
	_ =	sdelay $0x3  }
0x36: {  	p1 =	seq.s32 s10, $0x1;
	s10 =	sld [smem:$0x3FAB];
	_ =	sdelay $0x3  }
0x37: {  	[smem:$0x3FAB] =	sst s10  }
0x38: {  	s10 =	sld [smem:$0x3FAC]  }
0x39: {  	_ = 	snop;
	(pc) =	sbr.ind lr, $3  }
0x3a: {  	_ = 	snop  }
0x3b: {  	_ = 	snop  }
0x3c: {  	p2 =	seq.s32 s10, $0x1;
	s10 =	sld [smem:$0x3FAB]  }
0x3d: {  	_ =	shalt  }
0x3e: {  	_ =	shalt  }
0x3f: {  	_ =	shalt  }
0x40: {  	_ =	shalt  }
0x41: {  	_ =	shalt  }
0x42: {  	_ =	shalt  }
0x43: {  	_ =	shalt  }
0x44: {  	_ =	shalt  }
0x45: {  	_ =	shalt  }
0x46: {  	_ =	shalt  }
0x47: {  	_ =	shalt  }
0x48: {  	_ =	shalt  }
0x49: {  	_ =	shalt  }
0x4a: {  	_ =	shalt  }
0x4b: {  	_ =	shalt  }
0x4c: {  	_ =	shalt  }
0x4d: {  	_ =	shalt  }
0x4e: {  	_ =	shalt  }
0x4f: {  	_ =	shalt  }
0x50: {  	_ =	shalt  }
0x51: {  	_ =	shalt  }
0x52: {  	_ =	shalt  }
0x53: {  	_ =	shalt  }
0x54: {  	_ =	shalt  }
0x55: {  	_ =	shalt  }
0x56: {  	_ =	shalt  }
0x57: {  	_ =	shalt  }
0x58: {  	_ =	shalt  }
0x59: {  	_ =	shalt  }
0x5a: {  	_ =	shalt  }
0x5b: {  	_ =	shalt  }
0x5c: {  	_ =	shalt  }
0x5d: {  	_ =	shalt  }
0x5e: {  	_ =	shalt  }
0x5f: {  	_ =	shalt  }
0x60: {  	_ =	shalt  }
0x61: {  	_ =	shalt  }
0x62: {  	_ =	shalt  }
0x63: {  	_ =	shalt  }
0x64: {  	_ =	shalt  }
0x65: {  	_ =	shalt  }
0x66: {  	_ =	shalt  }
0x67: {  	_ =	shalt  }
0x68: {  	_ =	shalt  }
0x69: {  	_ =	shalt  }
0x6a: {  	_ =	shalt  }
0x6b: {  	_ =	shalt  }
0x6c: {  	_ =	shalt  }
0x6d: {  	_ =	shalt  }
0x6e: {  	_ =	shalt  }
0x6f: {  	_ =	shalt  }
0x70: {  	_ =	shalt  }
0x71: {  	_ =	shalt  }
0x72: {  	_ =	shalt  }
0x73: {  	_ =	shalt  }
0x74: {  	_ =	shalt  }
0x75: {  	_ =	shalt  }
0x76: {  	_ =	shalt  }
0x77: {  	_ =	shalt  }
0x78: {  	_ =	shalt  }
0x79: {  	_ =	shalt  }
0x7a: {  	_ =	shalt  }
0x7b: {  	_ =	shalt  }
0x7c: {  	_ =	shalt  }
0x7d: {  	_ =	shalt  }
0x7e: {  	_ =	shalt  }
0x7f: {  	_ =	shalt  }
0x80: {  	_ =	shalt  }
0x81: {  	_ =	shalt  }
0x82: {  	_ =	shalt  }
0x83: {  	_ =	shalt  }
0x84: {  	_ =	shalt  }
0x85: {  	_ =	shalt  }
0x86: {  	_ =	shalt  }
0x87: {  	_ =	shalt  }
.Lfunc_end0:
.L_simem_size_0:
called_computation_lowered:
.L_overlay_start_0:
0x88: {  	s2 =	sld [smem:$0x3FD9]  }
0x89: {  	s3 =	sld [smem:$0x3FFE];
	_ =	sdelay $0x1  }
0x8a: {  	s1 =	srdreg.scid  }
0x8b: {  	s0 =	sand.u32 $0x1, s1  }
0x8c: {  	s16 =	sshll.u32 s0, $0xA;
	s2 =	sadd.s32 s3, s2  }
0x8d: {  	s2 =	sadd.s32 s2, s16  }
0x8e: {  	[smem:$0x3FB7] =	sst s2  }
0x8f: {  	_ = 	snop  }
0x90: {  	(tm) =	ssettm $0x1  }
0x91: {  	s17 =	sld [smem:$0x3FFB];
	_ =	sdelay $0x3  }
0x92: {  	_ =	strace s17  }
0x93: {  	s2 =	sld [smem:$0x3FFC];
	_ =	sdelay $0x3  }
0x94: {  	_ =	strace s2  }
0x95: {  	s2 =	sld [smem:$0x3FFD];
	_ =	sdelay $0x3  }
0x96: {  	_ =	strace s2  }
0x97: {  	_ =	strace $0x8FFFFFFF  }
0x98: {  	s18 =	sld [smem:$0x3FDB];
	_ =	sdelay $0x1  }
0x99: {  	s19 =	simm.s32 $_scs_section_size  }
0x9a: {  	s4 =	simm.s32 $_size__tile_overlayer_lowered;
	s5 =	simm.s32 $_tile_overlayer_lowered  }
0x9b: {  	s22 =	simm.s32 $0x1BFF;
	s21 =	sshll.u32 s5, $0x1;
	s2 =	sadd.s32 s19, s18  }
0x9c: {  	s6 =	simm.s32 $0x0;
	s20 =	sshll.u32 s4, $0x1;
	s4 =	sadd.s32 s21, s2  }
0x9d: {  	[timem:s6], [sflag:s22] =	dma.local [hbm:s4], s20  }
0x9e: {  	_ =	swait.ge [sflag:s22], s20  }
0x9f: {  	s3 =	ssub.s32 $0x0, s20;
	[sflag:s22] =	ssyncset.done $0x0  }
0xa0: {  	[sflag:s22] =	ssyncadd.s32 s3;
	_ =	sdelay $0x1  }
0xa1: {  	s23 =	simm.s32 $0x1B8B  }
0xa2: {  	_ =	swait.ge [sflag:s23], $0x1  }
0xa3: {  	[sflag:s23] =	ssyncset.done $0x0  }
0xa4: {  	s25 =	simm.s32 $0x1B8E;
	s24 =	sld [smem:$0x3FFE];
	[sflag:s23] =	ssyncadd.s32 $0xFFFFFFFF  }
0xa5: {  	s26 =	simm.s32 $execute0_lowered;
	[smem:$0x3FD2] =	sst s25  }
0xa6: {  	s4 =	sshll.u32 s26, $0x1;
	_ =	strace $0x80000046;
	[dreg:$0x1] =	wrdreg $0xFFFFFFFF  }
0xa7: {  	s28 =	simm.s32 $_size_execute0_lowered;
	s2 =	sadd.s32 s2, s4;
	[dreg:$0x0] =	wrdreg $0x0  }
0xa8: {  	s4 =	sshll.u32 s28, $0x1;
	[dreg:$0x2] =	wrdreg s2  }
0xa9: {  	[dreg:$0x3] =	wrdreg s4  }
0xaa: {  	[dreg:$0x4] =	wrdreg $0xC0  }
0xab: {  	_ =	task [dreg:s6], $0x5FFFF  }
0xac: {  	[dreg:$0x1] =	wrdreg $0xFFFFFFFF  }
0xad: {  	[dreg:$0x0] =	wrdreg $0x60  }
0xae: {  	[dreg:$0x2] =	wrdreg s24  }
0xaf: {  	[dreg:$0x3] =	wrdreg $0x9  }
0xb0: {  	_ =	task.clear_ibuf [dreg:s6], $0x4FFFF;
	_ =	strace $0x90000046  }
0xb1: {  	s29 =	simm.s32 $0x9;
	_ =	strace $0x80000048  }
0xb2: {  	_ =	swait.ge [sflag:s29], $0x1  }
0xb3: {  	[sflag:s29] =	ssyncadd.s32 $0xFFFFFFFF  }
0xb4: {  	_ =	strace $0x90000048  }
0xb5: {  	_ =	sfence  }
0xb6: {  	s30 =	sld [smem:$0x0];
	_ =	sdelay $0x2  }
0xb7: {  	s31 =	sshll.u32 s1, $0xD;
	s1 =	sshrl.u32 s1, $0x2  }
0xb8: {  	s3 =	sand.u32 $0x4000, s31;
	s1 =	sadd.s32 s1, s30  }
0xb9: {  	s0 =	sor.u32 s3, s0;
	s1 =	sshll.u32 s1, $0x11  }
0xba: {  	s0 =	sor.u32 s1, s0  }
0xbb: {  	s0 =	sadd.s32 $0x8F2B, s0  }
0xbc: {  	[sflag:s0] =	ssyncadd.remote.s32 $0x1  }
0xbd: {  	_ =	sfence.sel $0xFFFF  }
0xbe: {  	[dreg:$0x0] =	wrdreg $0xFFFFFFFF;
	(pc) =	sbr.abs _section_cstart, $3  }
0xbf: {  	[dreg:$0x1] =	wrdreg $0xFFFFFFFF  }
0xc0: {  	_ =	task.clear_ibuf [dreg:s6], $0x2FFFF;
	_ =	strace $0x9FFFFFFF  }
0xc1: {  	(tm) =	ssettm $0x7FFFFFFF  }
tec
execute0_lowered:
.L_overlay_start_1:
0x0: {  	(tag) =	ssettag $0x1  }
0x1: {  	s0 =	srdreg.scid;
	s7 =	stileid.u32  }
0x2: {  	s1 =	rddreg [dreg:$0x0];
	s2 =	simm.s32 $0x0;
	s10 =	simm.s32 $0x3  }
0x3: {  	s11 =	simm.s32 $0x80;
	s12 =	simm.s32 $0x3400;
	s13 =	simm.s32 $0x5400  }
0x4: {  	s15 =	simm.s32 $0x7400;
	s17 =	simm.s32 $0x9400;
	s18 =	simm.s32 $0xB400  }
0x5: {  	s19 =	simm.s32 $0xD400;
	s20 =	simm.s32 $0xF400;
	s21 =	simm.s32 $0x11400  }
0x6: {  	s22 =	simm.s32 $0x1;
	s23 =	simm.s32 $0x2;
	s25 =	simm.s32 $0x3280  }
0x7: {  	s26 =	simm.s32 $0x3300;
	s28 =	simm.s32 $0x3380;
	s0 =	sand.u32 $0x1, s0  }
0x8: {  	s3 =	sshll.u32 s7, $0x1;
	[smem:$0x7FF] =	sst s2;
	s7 =	smul.u32 $0x1A0000, s7  }
0x9: {  	s3 =	sor.u32 s0, s3;
	s6 =	ssub.s32 $0x2, s0;
	s0 =	smul.u32 $0xD0000, s0  }
0xa: {  	s29 =	simm.s32 $0x0;
	_ =	strace $0x80000047;
	s4 =	smul.u32 $0x680, s3  }
0xb: {  	s5 =	smul.u32 $0xD0000, s3;
	s3 =	sadd.s32 $0x3200, s1;
	s8 =	sshrl.u32 s6, $0x1  }
0xc: {  	s6 =	ssub.s32 s6, s8;
	s0 =	sadd.s32 s0, s7;
	s4 =	sadd.s32 s4, s1  }
0xd: {  	s1 =	sadd.s32 $0x15400, s1;
	s5 =	sshrl.u32 s5, $0x3;
	s9 =	sor.u32 $0x8000, s0  }
0xe: {  	s0 =	sshrl.u32 s0, $0x3;
	s4 =	sadd.s32 $0x8400, s4;
	s31 =	sadd.s32 s1, s5  }
0xf: {  	s5 =	smax.u32 s6, $0x1;
	s9 =	sshrl.u32 s9, $0x3;
	s8 =	sadd.s32 s0, s1  }
0x10: {  	s6 =	sadd.s32 $0x18000, s31;
	s7 =	sadd.s32 $0x19000, s31;
	s9 =	sadd.s32 s9, s1  }
.LBB2_1:
0x11: {  	[tilespmem:s2], [sflag:$0x3] =	stream.linear.gather [hbm4b:s4+s2], $0x3400, $0x38;
	[tilespmem:$0x13400] =	vst v63  }
0x12: {  	_ =	swait.ge [sflag:s10], $0x3400  }
0x13: {  	[sflag:s10] =	ssyncset.done $0x0  }
0x14: {  	[sflag:s10] =	ssyncadd.s32 $0xFFFFCC00  }
0x15: {  	[tilespmem:s12], [sflag:$0x1] =	stream.indirect.gather [hbm4b:s3+s11], $0x40, s2, s11, $0xb8;
	[tilespmem:$0x13400] =	vst v63  }
0x16: {  	_ = 	snop  }
0x17: {  	[tilespmem:s13], [sflag:$0x1] =	stream.indirect.gather [hbm4b:s3+s11], $0x40, s11, s11, $0xb8;
	[tilespmem:$0x13400] =	vst v63  }
0x18: {  	s0 =	simm.s32 $0x100  }
0x19: {  	[tilespmem:s15], [sflag:$0x1] =	stream.indirect.gather [hbm4b:s3+s11], $0x40, s0, s11, $0xb8;
	[tilespmem:$0x13400] =	vst v63  }
0x1a: {  	s24 =	simm.s32 $0x180  }
0x1b: {  	[tilespmem:s17], [sflag:$0x1] =	stream.indirect.gather [hbm4b:s3+s11], $0x40, s24, s11, $0xb8;
	[tilespmem:$0x13400] =	vst v63  }
0x1c: {  	s1 =	simm.s32 $0x200  }
0x1d: {  	[tilespmem:s18], [sflag:$0x2] =	stream.indirect.gather [hbm4b:s3+s11], $0x40, s1, s11, $0xb8;
	[tilespmem:$0x13400] =	vst v63  }
0x1e: {  	s14 =	simm.s32 $0x280  }
0x1f: {  	[tilespmem:s19], [sflag:$0x2] =	stream.indirect.gather [hbm4b:s3+s11], $0x40, s14, s11, $0xb8;
	[tilespmem:$0x13400] =	vst v63  }
0x20: {  	s16 =	simm.s32 $0x300  }
0x21: {  	[tilespmem:s20], [sflag:$0x2] =	stream.indirect.gather [hbm4b:s3+s11], $0x40, s16, s11, $0xb8;
	[tilespmem:$0x13400] =	vst v63  }
0x22: {  	s24 =	simm.s32 $0x380  }
0x23: {  	[tilespmem:s21], [sflag:$0x2] =	stream.indirect.gather [hbm4b:s3+s11], $0x40, s24, s11, $0xb8;
	[tilespmem:$0x13400] =	vst v63  }
0x24: {  	_ =	swait.ge [sflag:s22], $0x8000  }
0x25: {  	[sflag:s22] =	ssyncset.done $0x0  }
0x26: {  	[sflag:s22] =	ssyncadd.s32 $0xFFFF8000  }
0x27: {  	[hbm4b:s8+s2] =	stream.linear.scatter [tilespmem:s12], [sflag:$0x3], $0x8000, $0x38;
	[tilespmem:$0x13400] =	vst v63  }
0x28: {  	_ =	swait.ge [sflag:s10], $0x8000  }
0x29: {  	[sflag:s10] =	ssyncset.done $0x0  }
0x2a: {  	s1 =	simm.s32 $0x400;
	[sflag:s10] =	ssyncadd.s32 $0xFFFF8000  }
0x2b: {  	[tilespmem:s12], [sflag:$0x1] =	stream.indirect.gather [hbm4b:s3+s11], $0x40, s1, s11, $0xb8;
	[tilespmem:$0x13400] =	vst v63  }
0x2c: {  	s14 =	simm.s32 $0x480  }
0x2d: {  	[tilespmem:s13], [sflag:$0x1] =	stream.indirect.gather [hbm4b:s3+s11], $0x40, s14, s11, $0xb8;
	[tilespmem:$0x13400] =	vst v63  }
0x2e: {  	s16 =	simm.s32 $0x500  }
0x2f: {  	[tilespmem:s15], [sflag:$0x1] =	stream.indirect.gather [hbm4b:s3+s11], $0x40, s16, s11, $0xb8;
	[tilespmem:$0x13400] =	vst v63  }
0x30: {  	s24 =	simm.s32 $0x580  }
0x31: {  	[tilespmem:s17], [sflag:$0x1] =	stream.indirect.gather [hbm4b:s3+s11], $0x40, s24, s11, $0xb8;
	[tilespmem:$0x13400] =	vst v63  }
0x32: {  	_ =	swait.ge [sflag:s23], $0x8000  }
0x33: {  	[sflag:s23] =	ssyncset.done $0x0  }
0x34: {  	[sflag:s23] =	ssyncadd.s32 $0xFFFF8000  }
0x35: {  	[hbm4b:s9+s2] =	stream.linear.scatter [tilespmem:s18], [sflag:$0x3], $0x8000, $0x38;
	[tilespmem:$0x13400] =	vst v63  }
0x36: {  	s30 =	sadd.s32 $0x2000, s9;
	s31 =	sadd.s32 $0x2000, s8;
	_ =	swait.ge [sflag:s10], $0x8000  }
0x37: {  	s0 =	simm.s32 $0x2000;
	s1 =	simm.s32 $0x400;
	[sflag:s10] =	ssyncset.done $0x0  }
.LBB2_2:
0x38: {  	s14 =	sadd.s32 $0x200, s1  }
0x39: {  	[sflag:s10] =	ssyncadd.s32 $0xFFFF8000;
	s16 =	smov.u32 s0;
	s24 =	sadd.s32 $0x1000, s0  }
0x3a: {  	[tilespmem:s18], [sflag:$0x2] =	stream.indirect.gather [hbm4b:s3+s11], $0x40, s14, s11, $0xb8;
	[tilespmem:$0x13400] =	vst v63  }
0x3b: {  	p0 =	sne.s32 s0, $0xB000;
	s0 =	sadd.s32 $0x280, s1  }
0x3c: {  	[tilespmem:s19], [sflag:$0x2] =	stream.indirect.gather [hbm4b:s3+s11], $0x40, s0, s11, $0xb8;
	[tilespmem:$0x13400] =	vst v63  }
0x3d: {  	s0 =	sadd.s32 $0x300, s1  }
0x3e: {  	[tilespmem:s20], [sflag:$0x2] =	stream.indirect.gather [hbm4b:s3+s11], $0x40, s0, s11, $0xb8;
	[tilespmem:$0x13400] =	vst v63  }
0x3f: {  	s0 =	sadd.s32 $0x380, s1  }
0x40: {  	[tilespmem:s21], [sflag:$0x2] =	stream.indirect.gather [hbm4b:s3+s11], $0x40, s0, s11, $0xb8;
	[tilespmem:$0x13400] =	vst v63  }
0x41: {  	_ =	swait.ge [sflag:s22], $0x8000  }
0x42: {  	[sflag:s22] =	ssyncset.done $0x0  }
0x43: {  	[sflag:s22] =	ssyncadd.s32 $0xFFFF8000  }
0x44: {  	[hbm4b:s31+s2] =	stream.linear.scatter [tilespmem:s12], [sflag:$0x3], $0x8000, $0x38;
	[tilespmem:$0x13400] =	vst v63  }
0x45: {  	_ =	swait.ge [sflag:s10], $0x8000  }
0x46: {  	[sflag:s10] =	ssyncset.done $0x0  }
0x47: {  	s0 =	sadd.s32 $0x400, s1;
	[sflag:s10] =	ssyncadd.s32 $0xFFFF8000  }
0x48: {  	[tilespmem:s12], [sflag:$0x1] =	stream.indirect.gather [hbm4b:s3+s11], $0x40, s0, s11, $0xb8;
	[tilespmem:$0x13400] =	vst v63  }
0x49: {  	s0 =	sadd.s32 $0x480, s1  }
0x4a: {  	[tilespmem:s13], [sflag:$0x1] =	stream.indirect.gather [hbm4b:s3+s11], $0x40, s0, s11, $0xb8;
	[tilespmem:$0x13400] =	vst v63  }
0x4b: {  	s0 =	sadd.s32 $0x500, s1  }
0x4c: {  	[tilespmem:s15], [sflag:$0x1] =	stream.indirect.gather [hbm4b:s3+s11], $0x40, s0, s11, $0xb8;
	[tilespmem:$0x13400] =	vst v63  }
0x4d: {  	s0 =	sadd.s32 $0x580, s1  }
0x4e: {  	[tilespmem:s17], [sflag:$0x1] =	stream.indirect.gather [hbm4b:s3+s11], $0x40, s0, s11, $0xb8;
	[tilespmem:$0x13400] =	vst v63  }
0x4f: {  	_ =	swait.ge [sflag:s23], $0x8000  }
.Ltmp0:
0x50: {  	[sflag:s23] =	ssyncset.done $0x0;
	(pc) =	sbr.rel @p0 .LBB2_2-.Ltmp0, $4  }
0x51: {  	[sflag:s23] =	ssyncadd.s32 $0xFFFF8000  }
0x52: {  	[hbm4b:s30+s2] =	stream.linear.scatter [tilespmem:s18], [sflag:$0x3], $0x8000, $0x38;
	[tilespmem:$0x13400] =	vst v63  }
0x53: {  	s31 =	sadd.s32 $0x2000, s31;
	s30 =	sadd.s32 $0x2000, s30;
	_ =	swait.ge [sflag:s10], $0x8000  }
0x54: {  	s1 =	sshra.s32 s16, $0x2;
	s0 =	smov.u32 s24;
	[sflag:s10] =	ssyncset.done $0x0  }
0x55: {  	s0 =	sadd.s32 $0x200, s1;
	[sflag:s10] =	ssyncadd.s32 $0xFFFF8000  }
0x56: {  	[tilespmem:s18], [sflag:$0x2] =	stream.indirect.gather [hbm4b:s3+s11], $0x40, s0, s11, $0xb8;
	[tilespmem:$0x13400] =	vst v63  }
0x57: {  	s14 =	sadd.s32 $0x280, s1  }
0x58: {  	[tilespmem:s19], [sflag:$0x2] =	stream.indirect.gather [hbm4b:s3+s11], $0x40, s14, s11, $0xb8;
	[tilespmem:$0x13400] =	vst v63  }
0x59: {  	s16 =	sadd.s32 $0x300, s1  }
0x5a: {  	[tilespmem:s20], [sflag:$0x2] =	stream.indirect.gather [hbm4b:s3+s11], $0x40, s16, s11, $0xb8;
	[tilespmem:$0x13400] =	vst v63  }
0x5b: {  	s24 =	sadd.s32 $0x380, s1  }
0x5c: {  	[tilespmem:s21], [sflag:$0x2] =	stream.indirect.gather [hbm4b:s3+s11], $0x40, s24, s11, $0xb8;
	[tilespmem:$0x13400] =	vst v63  }
0x5d: {  	_ =	swait.ge [sflag:s22], $0x8000  }
0x5e: {  	[sflag:s22] =	ssyncset.done $0x0  }
0x5f: {  	[sflag:s22] =	ssyncadd.s32 $0xFFFF8000  }
0x60: {  	[hbm4b:s31+s2] =	stream.linear.scatter [tilespmem:s12], [sflag:$0x3], $0x8000, $0x38;
	[tilespmem:$0x13400] =	vst v63  }
0x61: {  	_ =	swait.ge [sflag:s10], $0x8000  }
0x62: {  	[sflag:s10] =	ssyncset.done $0x0  }
0x63: {  	s31 =	sadd.s32 $0x400, s1;
	[sflag:s10] =	ssyncadd.s32 $0xFFFF8000  }
0x64: {  	[tilespmem:s12], [sflag:$0x1] =	stream.indirect.gather [hbm4b:s3+s11], $0x40, s31, s11, $0xb8;
	[tilespmem:$0x13400] =	vst v63  }
0x65: {  	s14 =	sadd.s32 $0x480, s1  }
0x66: {  	[tilespmem:s13], [sflag:$0x1] =	stream.indirect.gather [hbm4b:s3+s11], $0x40, s14, s11, $0xb8;
	[tilespmem:$0x13400] =	vst v63  }
0x67: {  	s16 =	sadd.s32 $0x500, s1  }
0x68: {  	[tilespmem:s15], [sflag:$0x1] =	stream.indirect.gather [hbm4b:s3+s11], $0x40, s16, s11, $0xb8;
	[tilespmem:$0x13400] =	vst v63  }
0x69: {  	s24 =	sadd.s32 $0x580, s1  }
0x6a: {  	[tilespmem:s17], [sflag:$0x1] =	stream.indirect.gather [hbm4b:s3+s11], $0x40, s24, s11, $0xb8;
	[tilespmem:$0x13400] =	vst v63  }
0x6b: {  	_ =	swait.ge [sflag:s23], $0x8000  }
0x6c: {  	[sflag:s23] =	ssyncset.done $0x0  }
0x6d: {  	[sflag:s23] =	ssyncadd.s32 $0xFFFF8000  }
0x6e: {  	[hbm4b:s30+s2] =	stream.linear.scatter [tilespmem:s18], [sflag:$0x3], $0x8000, $0x38;
	[tilespmem:$0x13400] =	vst v63  }
0x6f: {  	_ =	swait.ge [sflag:s10], $0x8000  }
0x70: {  	[sflag:s10] =	ssyncset.done $0x0  }
0x71: {  	s31 =	simm.s32 $0x3200;
	[sflag:s10] =	ssyncadd.s32 $0xFFFF8000  }
0x72: {  	[tilespmem:s18], [sflag:$0x2] =	stream.indirect.gather [hbm4b:s3+s11], $0x40, s31, s11, $0xb8;
	[tilespmem:$0x13400] =	vst v63  }
0x73: {  	_ = 	snop  }
0x74: {  	[tilespmem:s19], [sflag:$0x2] =	stream.indirect.gather [hbm4b:s3+s11], $0x40, s25, s11, $0xb8;
	[tilespmem:$0x13400] =	vst v63  }
0x75: {  	_ = 	snop  }
0x76: {  	[tilespmem:s20], [sflag:$0x2] =	stream.indirect.gather [hbm4b:s3+s11], $0x40, s26, s11, $0xb8;
	[tilespmem:$0x13400] =	vst v63  }
0x77: {  	_ = 	snop  }
0x78: {  	[tilespmem:s21], [sflag:$0x2] =	stream.indirect.gather [hbm4b:s3+s11], $0x40, s28, s11, $0xb8;
	[tilespmem:$0x13400] =	vst v63  }
0x79: {  	_ =	swait.ge [sflag:s22], $0x8000  }
0x7a: {  	[sflag:s22] =	ssyncset.done $0x0  }
0x7b: {  	[sflag:s22] =	ssyncadd.s32 $0xFFFF8000  }
0x7c: {  	[hbm4b:s6+s2] =	stream.linear.scatter [tilespmem:s12], [sflag:$0x3], $0x8000, $0x38;
	[tilespmem:$0x13400] =	vst v63  }
0x7d: {  	_ =	swait.ge [sflag:s10], $0x8000  }
0x7e: {  	[sflag:s10] =	ssyncset.done $0x0  }
0x7f: {  	[sflag:s10] =	ssyncadd.s32 $0xFFFF8000  }
0x80: {  	s29 =	sadd.s32 $0x1, s29;
	_ =	swait.ge [sflag:s23], $0x8000  }
0x81: {  	p0 =	sne.s32 s29, s5;
	[sflag:s23] =	ssyncset.done $0x0  }
.Ltmp1:
0x82: {  	[sflag:s23] =	ssyncadd.s32 $0xFFFF8000;
	(pc) =	sbr.rel @p0 .LBB2_1-.Ltmp1, $4  }
0x83: {  	[hbm4b:s7+s2] =	stream.linear.scatter [tilespmem:s18], [sflag:$0x3], $0x8000, $0x38;
	[tilespmem:$0x13400] =	vst v63  }
0x84: {  	_ =	swait.ge [sflag:s10], $0x8000  }
0x85: {  	[sflag:s10] =	ssyncset.done $0x0  }
0x86: {  	[sflag:s10] =	ssyncadd.s32 $0xFFFF8000  }
0x87: {  	_ =	sfence.sel $0x180000  }
0x88: {  	[bflag:$0x0] =	sbarrier.arrive $0xFFFF  }
0x89: {  	_ =	strace $0x90000047  }
0x8a: {  	s0 =	stileid.u32;
	[bflag:$0x2] =	sbarrier.arrive $0xFFFF  }
0x8b: {  	p0 =	sne.s32 s0, $0x0;
	s0 =	rddreg [dreg:$0x1]  }
0x8c: {  	s0 =	sadd.s32 @!p0 $0x100000, s0  }
0x8d: {  	[sflag:s0] =	ssyncadd.tile.s32 @!p0 $0x1;
	_ =	shalt  }
.Lfunc_end2:
_tile_overlayer_lowered:
.L_overlay_start_2:
0x8e: {  	(tag) =	ssettag $0x2  }
0x8f: {  	s0 =	rddreg [dreg:$0x0];
	s2 =	stileid.u32  }
0x90: {  	s1 =	rddreg [dreg:$0x1];
	p0 =	sne.s32 s2, $0x0  }
0x91: {  	s3 =	rddreg [dreg:$0x2];
	[bflag:$0x3] =	sbarrier.arrive $0xFFFF;
	s2 =	simm.s32 @!p0 $0x1C03  }
0x92: {  	[timem:s3], [sflag:s2] =	dma.local @!p0 [hbm:s0], s1  }
0x93: {  	s0 =	simm.s32 @!p0 $0x3  }
0x94: {  	_ =	swait.ge @!p0 [sflag:s0], s1  }
0x95: {  	s1 =	ssub.s32 @!p0 $0x0, s1;
	[sflag:s0] =	ssyncset.done @!p0 $0x0  }
0x96: {  	[sflag:s0] =	ssyncadd.s32 @!p0 s1  }
0x97: {  	[bflag:$0x3] =	sbarrier.arrive $0xFFFF  }
0x98: {  	_ =	shalt  }

</sc_bundles>
